<compile_context>
chip_gen: v7x
topology: tpu7x:2x2x1
jax: 0.10.2.dev20260603
libtpu: 0.0.44.dev20260713+nightly
codegen_flags: <defaults>
</compile_context>

<pallas_src>
import jax
import jax.numpy as jnp
from jax import lax
from jax.experimental import pallas as pl
from jax.experimental.pallas import tpu as pltpu
from jax.experimental.pallas import tpu_sc as plsc

LAMB_ = 0.7
N_ = 100000
D_ = 256
CH_ = 80
NCHUNK_ = N_ // CH_
NW_ = 32
CPW_ = NCHUNK_ // NW_
REM_ = NCHUNK_ % NW_
MAXC_ = CPW_ + 1


def _mix_body(x_hbm, idx_hbm, out_hbm, idx_all, gath_v, lin_v, mix_v,
              load_sem, out_sem, idx_sem):
    c_id = lax.axis_index("c")
    s_id = lax.axis_index("s")
    wid = s_id * 2 + c_id
    nch = jnp.where(wid < REM_, CPW_ + 1, CPW_)

    def chunk_off(u):
        return (wid + u * NW_) * CH_

    def idx_issue(t, carry):
        pltpu.async_copy(idx_hbm.at[pl.ds(chunk_off(t), CH_)],
                         idx_all.at[t], idx_sem)
        return carry
    lax.fori_loop(0, nch, idx_issue, 0, unroll=1)

    def idx_drain(t, carry):
        pltpu.make_async_copy(idx_hbm.at[pl.ds(0, CH_)],
                              idx_all.at[0], idx_sem).wait()
        return carry
    lax.fori_loop(0, nch, idx_drain, 0, unroll=1)

    def start_loads(u, b):
        off = chunk_off(u)
        pltpu.async_copy(x_hbm.at[idx_all.at[u]], gath_v.at[b], load_sem[b])
        pltpu.async_copy(x_hbm.at[pl.ds(off, CH_)], lin_v.at[b], load_sem[b])

    def wait_loads(b):
        pltpu.make_async_copy(x_hbm.at[pl.ds(0, CH_)], gath_v.at[b],
                              load_sem[b]).wait()
        pltpu.make_async_copy(x_hbm.at[pl.ds(0, CH_)], lin_v.at[b],
                              load_sem[b]).wait()

    def start_out(u, b):
        pltpu.async_copy(mix_v.at[b], out_hbm.at[pl.ds(chunk_off(u), CH_)],
                         out_sem[b])

    def wait_out(b):
        pltpu.make_async_copy(x_hbm.at[pl.ds(0, CH_)], mix_v.at[b],
                              out_sem[b]).wait()

    def compute(b):
        def row_body(r, carry2):
            for j in range(D_ // 16):
                sl = pl.ds(j * 16, 16)
                mix_v[b, r, sl] = (lin_v[b, r, sl] * LAMB_
                                   + gath_v[b, r, sl] * (1.0 - LAMB_))
            return carry2
        lax.fori_loop(0, CH_, row_body, 0, unroll=1)

    start_loads(0, 0)

    def outer(i, carry):
        for b in range(2):
            u = i * 2 + b
            bo = 1 - b

            @pl.when(u < nch)
            def _():
                @pl.when(u + 1 < nch)
                def _():
                    start_loads(u + 1, bo)

                wait_loads(b)

                @pl.when(u >= 2)
                def _():
                    wait_out(b)

                compute(b)
                start_out(u, b)
        return carry

    lax.fori_loop(0, MAXC_ // 2, outer, 0, unroll=1)
    wait_out(0)
    wait_out(1)


@jax.jit
def _mix(x, pair_idx):
    mesh = plsc.VectorSubcoreMesh(
        core_axis_name="c", subcore_axis_name="s", num_cores=2, num_subcores=16
    )
    return pl.kernel(
        _mix_body,
        out_type=jax.ShapeDtypeStruct((N_, D_), jnp.float32),
        mesh=mesh,
        scratch_types=[
            pltpu.VMEM((MAXC_, CH_), jnp.int32),
            pltpu.VMEM((2, CH_, D_), jnp.float32),
            pltpu.VMEM((2, CH_, D_), jnp.float32),
            pltpu.VMEM((2, CH_, D_), jnp.float32),
            [pltpu.SemaphoreType.DMA, pltpu.SemaphoreType.DMA],
            [pltpu.SemaphoreType.DMA, pltpu.SemaphoreType.DMA],
            pltpu.SemaphoreType.DMA,
        ],
    )(x, pair_idx)


def kernel(x, y, pair_idx):
    x_mix = _mix(x, pair_idx)
    return x_mix, y

# --- scband reference (transcript-rebuilt; emitter-appended) ---
"""Pipeline reference for scband-node-mix-up-29703993819879 (READ-ONLY COPY).

The authoritative reference and input builder live on the scoring server;
editing this copy changes nothing except your own understanding.
"""

import jax, jax.numpy as jnp
import numpy as np

LAMB = 0.7
CLASSES = 40

def setup_inputs(seed: int = 0) -> dict:
    key = jax.random.key(seed)
    k1, k2, k3 = jax.random.split(key, 3)
    n, d = 100000, 256
    x = jax.random.normal(k1, (n, d), dtype=jnp.float32)
    y = jax.random.randint(k2, (n,), 0, CLASSES, dtype=jnp.int32)
    pair_idx = jax.random.permutation(k3, n).astype(jnp.int32)
    return {"x": x, "y": y, "pair_idx": pair_idx}

def reference(x, y, pair_idx):
    # x_b = x[pair_idx]; y_b = y[pair_idx]  (gathers)
    x_b = jnp.take(x, pair_idx, axis=0)
    y_b = jnp.take(y, pair_idx, axis=0)
    # one-hot labels
    y_a_oh = jax.nn.one_hot(y, CLASSES, dtype=jnp.float32)
    y_b_oh = jax.nn.one_hot(y_b, CLASSES, dtype=jnp.float32)
    # mixup
    x_mix = LAMB * x + (1.0 - LAMB) * x_b
    y_mix = LAMB * y_a_oh + (1.0 - LAMB) * y_b_oh
    new_y = jnp.argmax(y_mix, axis=1)
    return x_mix, new_y

if __name__ == "__main__":
    import jax
    _d = setup_inputs()
    print(jax.jit(kernel)(*tuple(_d.values())))

</pallas_src>

<mosaic_0001>
#map = affine_map<(d0, d1) -> (0, 0)>
#map1 = affine_map<(d0, d1) -> (0)>
module attributes {stable_mosaic.version = 14 : i64} {
  func.func @_mix_body(%arg0: i32, %arg1: i32, %arg2: memref<100000x256xf32, #tpu.memory_space<hbm>>, %arg3: memref<100000xi32, #tpu.memory_space<hbm>>, %arg4: memref<100000x256xf32, #tpu.memory_space<hbm>>, %arg5: memref<40x80xi32, #tpu.memory_space<vmem>>, %arg6: memref<2x80x256xf32, #tpu.memory_space<vmem>>, %arg7: memref<2x80x256xf32, #tpu.memory_space<vmem>>, %arg8: memref<2x80x256xf32, #tpu.memory_space<vmem>>, %arg9: memref<!tpu.dma_semaphore, #tpu.memory_space<semaphore_mem>>, %arg10: memref<!tpu.dma_semaphore, #tpu.memory_space<semaphore_mem>>, %arg11: memref<!tpu.dma_semaphore, #tpu.memory_space<semaphore_mem>>, %arg12: memref<!tpu.dma_semaphore, #tpu.memory_space<semaphore_mem>>, %arg13: memref<!tpu.dma_semaphore, #tpu.memory_space<semaphore_mem>>) attributes {dimension_semantics = [#tpu.dimension_semantics<core_parallel>, #tpu.dimension_semantics<subcore_parallel>], iteration_bounds = array<i64: 2, 16>, scalar_prefetch = 0 : i64, scratch_operands = 9 : i64, tpu.core_type = #tpu.core_type<sc_vector_subcore>, window_params = [{transform_indices = #map}, {transform_indices = #map1}, {transform_indices = #map}]} {
    %mul3A = arith.constant 2 : i32
    %mul3A_0 = arith.muli %arg1, %mul3A : i32
    %add3A = arith.addi %mul3A_0, %arg0 : i32
    %lt3A = arith.constant 2 : i32
    %lt3A_1 = arith.cmpi slt, %add3A, %lt3A : i32
    %jit3A = arith.constant 40 : i32
    %jit3A_2 = arith.constant 39 : i32
    %select_n3A = arith.select %lt3A_1, %jit3A, %jit3A_2 : i32
    %while3A = arith.constant 0 : i32
    %while3A_3 = arith.constant 0 : i32
    %while3A_4 = arith.subi %select_n3A, %while3A_3 : i32
    %while3A_5 = arith.addi %while3A_3, %while3A_4 : i32
    %while3A_6 = arith.constant 1 : i32
    %while3A_7 = arith.divsi %while3A_4, %while3A_6 : i32
    %while3A_8 = arith.muli %while3A_7, %while3A_6 : i32
    %while3A_9 = arith.addi %while3A_3, %while3A_8 : i32
    %while3A_10 = arith.constant 1 : i32
    scf.for %while3A_84 = %while3A_3 to %while3A_9 step %while3A_10  : i32 {
      %mul3A_85 = arith.constant 32 : i32
      %mul3A_86 = arith.muli %while3A_84, %mul3A_85 : i32
      %add3A_87 = arith.addi %add3A, %mul3A_86 : i32
      %mul3A_88 = arith.constant 80 : i32
      %mul3A_89 = arith.muli %add3A_87, %mul3A_88 : i32
      %dma_start3A_90 = arith.constant 0 : i32
      %dma_start3A_91 = tpu.memref_slice %arg5[%while3A_84, %dma_start3A_90] : memref<40x80xi32, #tpu.memory_space<vmem>> -> memref<1x80xi32, #tpu.memory_space<vmem>>
      %dma_start3A_92 = tpu.memref_squeeze %dma_start3A_91 : memref<1x80xi32, #tpu.memory_space<vmem>> -> memref<80xi32, #tpu.memory_space<vmem>>
      %dma_start3A_93 = tpu.memref_slice %arg3[%mul3A_89] : memref<100000xi32, #tpu.memory_space<hbm>> -> memref<80xi32, #tpu.memory_space<hbm>>
      %dma_start3A_94 = arith.constant 0 : i32
      %dma_start3A_95 = tpu.memref_slice %arg5[%while3A_84, %dma_start3A_94] : memref<40x80xi32, #tpu.memory_space<vmem>> -> memref<1x80xi32, #tpu.memory_space<vmem>>
      %dma_start3A_96 = tpu.memref_squeeze %dma_start3A_95 : memref<1x80xi32, #tpu.memory_space<vmem>> -> memref<80xi32, #tpu.memory_space<vmem>>
      %dma_start3A_97 = tpu.memref_slice %arg3[%mul3A_89] : memref<100000xi32, #tpu.memory_space<hbm>> -> memref<80xi32, #tpu.memory_space<hbm>>
      tpu.enqueue_dma source(%dma_start3A_97 : memref<80xi32, #tpu.memory_space<hbm>>) target(%dma_start3A_96 : memref<80xi32, #tpu.memory_space<vmem>>) target_semaphore(%arg13 : memref<!tpu.dma_semaphore, #tpu.memory_space<semaphore_mem>>)
    }
    %while3A_11 = arith.constant 1 : i32
    scf.for %while3A_84 = %while3A_9 to %while3A_5 step %while3A_11  : i32 {
      %mul3A_85 = arith.constant 32 : i32
      %mul3A_86 = arith.muli %while3A_84, %mul3A_85 : i32
      %add3A_87 = arith.addi %add3A, %mul3A_86 : i32
      %mul3A_88 = arith.constant 80 : i32
      %mul3A_89 = arith.muli %add3A_87, %mul3A_88 : i32
      %dma_start3A_90 = arith.constant 0 : i32
      %dma_start3A_91 = tpu.memref_slice %arg5[%while3A_84, %dma_start3A_90] : memref<40x80xi32, #tpu.memory_space<vmem>> -> memref<1x80xi32, #tpu.memory_space<vmem>>
      %dma_start3A_92 = tpu.memref_squeeze %dma_start3A_91 : memref<1x80xi32, #tpu.memory_space<vmem>> -> memref<80xi32, #tpu.memory_space<vmem>>
      %dma_start3A_93 = tpu.memref_slice %arg3[%mul3A_89] : memref<100000xi32, #tpu.memory_space<hbm>> -> memref<80xi32, #tpu.memory_space<hbm>>
      %dma_start3A_94 = arith.constant 0 : i32
      %dma_start3A_95 = tpu.memref_slice %arg5[%while3A_84, %dma_start3A_94] : memref<40x80xi32, #tpu.memory_space<vmem>> -> memref<1x80xi32, #tpu.memory_space<vmem>>
      %dma_start3A_96 = tpu.memref_squeeze %dma_start3A_95 : memref<1x80xi32, #tpu.memory_space<vmem>> -> memref<80xi32, #tpu.memory_space<vmem>>
      %dma_start3A_97 = tpu.memref_slice %arg3[%mul3A_89] : memref<100000xi32, #tpu.memory_space<hbm>> -> memref<80xi32, #tpu.memory_space<hbm>>
      tpu.enqueue_dma source(%dma_start3A_97 : memref<80xi32, #tpu.memory_space<hbm>>) target(%dma_start3A_96 : memref<80xi32, #tpu.memory_space<vmem>>) target_semaphore(%arg13 : memref<!tpu.dma_semaphore, #tpu.memory_space<semaphore_mem>>)
    }
    %while3A_12 = arith.constant 0 : i32
    %while3A_13 = arith.constant 0 : i32
    %while3A_14 = arith.subi %select_n3A, %while3A_13 : i32
    %while3A_15 = arith.addi %while3A_13, %while3A_14 : i32
    %while3A_16 = arith.constant 1 : i32
    %while3A_17 = arith.divsi %while3A_14, %while3A_16 : i32
    %while3A_18 = arith.muli %while3A_17, %while3A_16 : i32
    %while3A_19 = arith.addi %while3A_13, %while3A_18 : i32
    %while3A_20 = arith.constant 1 : i32
    scf.for %while3A_84 = %while3A_13 to %while3A_19 step %while3A_20  : i32 {
      %dma_wait3A_85 = arith.constant 0 : i32
      %dma_wait3A_86 = arith.constant 0 : i32
      %dma_wait3A_87 = tpu.memref_slice %arg5[%dma_wait3A_85, %dma_wait3A_86] : memref<40x80xi32, #tpu.memory_space<vmem>> -> memref<1x80xi32, #tpu.memory_space<vmem>>
      %dma_wait3A_88 = tpu.memref_squeeze %dma_wait3A_87 : memref<1x80xi32, #tpu.memory_space<vmem>> -> memref<80xi32, #tpu.memory_space<vmem>>
      %dma_wait3A_89 = arith.constant 0 : i32
      %dma_wait3A_90 = tpu.memref_slice %arg3[%dma_wait3A_89] : memref<100000xi32, #tpu.memory_space<hbm>> -> memref<80xi32, #tpu.memory_space<hbm>>
      %dma_wait3A_91 = arith.constant 0 : i32
      %dma_wait3A_92 = tpu.memref_slice %arg5[%dma_wait3A_85, %dma_wait3A_91] : memref<40x80xi32, #tpu.memory_space<vmem>> -> memref<1x80xi32, #tpu.memory_space<vmem>>
      %dma_wait3A_93 = tpu.memref_squeeze %dma_wait3A_92 : memref<1x80xi32, #tpu.memory_space<vmem>> -> memref<80xi32, #tpu.memory_space<vmem>>
      %dma_wait3A_94 = arith.constant 0 : i32
      %dma_wait3A_95 = tpu.memref_slice %arg3[%dma_wait3A_94] : memref<100000xi32, #tpu.memory_space<hbm>> -> memref<80xi32, #tpu.memory_space<hbm>>
      tpu.wait_dma2 semaphore(%arg13 : memref<!tpu.dma_semaphore, #tpu.memory_space<semaphore_mem>>) src(%dma_wait3A_95 : memref<80xi32, #tpu.memory_space<hbm>>) dst(%dma_wait3A_93 : memref<80xi32, #tpu.memory_space<vmem>>)
    }
    %while3A_21 = arith.constant 1 : i32
    scf.for %while3A_84 = %while3A_19 to %while3A_15 step %while3A_21  : i32 {
      %dma_wait3A_85 = arith.constant 0 : i32
      %dma_wait3A_86 = arith.constant 0 : i32
      %dma_wait3A_87 = tpu.memref_slice %arg5[%dma_wait3A_85, %dma_wait3A_86] : memref<40x80xi32, #tpu.memory_space<vmem>> -> memref<1x80xi32, #tpu.memory_space<vmem>>
      %dma_wait3A_88 = tpu.memref_squeeze %dma_wait3A_87 : memref<1x80xi32, #tpu.memory_space<vmem>> -> memref<80xi32, #tpu.memory_space<vmem>>
      %dma_wait3A_89 = arith.constant 0 : i32
      %dma_wait3A_90 = tpu.memref_slice %arg3[%dma_wait3A_89] : memref<100000xi32, #tpu.memory_space<hbm>> -> memref<80xi32, #tpu.memory_space<hbm>>
      %dma_wait3A_91 = arith.constant 0 : i32
      %dma_wait3A_92 = tpu.memref_slice %arg5[%dma_wait3A_85, %dma_wait3A_91] : memref<40x80xi32, #tpu.memory_space<vmem>> -> memref<1x80xi32, #tpu.memory_space<vmem>>
      %dma_wait3A_93 = tpu.memref_squeeze %dma_wait3A_92 : memref<1x80xi32, #tpu.memory_space<vmem>> -> memref<80xi32, #tpu.memory_space<vmem>>
      %dma_wait3A_94 = arith.constant 0 : i32
      %dma_wait3A_95 = tpu.memref_slice %arg3[%dma_wait3A_94] : memref<100000xi32, #tpu.memory_space<hbm>> -> memref<80xi32, #tpu.memory_space<hbm>>
      tpu.wait_dma2 semaphore(%arg13 : memref<!tpu.dma_semaphore, #tpu.memory_space<semaphore_mem>>) src(%dma_wait3A_95 : memref<80xi32, #tpu.memory_space<hbm>>) dst(%dma_wait3A_93 : memref<80xi32, #tpu.memory_space<vmem>>)
    }
    %add3A_22 = arith.constant 0 : i32
    %add3A_23 = arith.addi %add3A, %add3A_22 : i32
    %mul3A_24 = arith.constant 80 : i32
    %mul3A_25 = arith.muli %add3A_23, %mul3A_24 : i32
    %dma_start3A = arith.constant 0 : i32
    %dma_start3A_26 = arith.constant 0 : i32
    %dma_start3A_27 = arith.constant 0 : i32
    %dma_start3A_28 = arith.constant 0 : i32
    %dma_start3A_29 = tpu.memref_slice %arg6[%dma_start3A_26, %dma_start3A_27, %dma_start3A_28] : memref<2x80x256xf32, #tpu.memory_space<vmem>> -> memref<1x80x256xf32, #tpu.memory_space<vmem>>
    %dma_start3A_30 = tpu.memref_squeeze %dma_start3A_29 : memref<1x80x256xf32, #tpu.memory_space<vmem>> -> memref<80x256xf32, #tpu.memory_space<vmem>>
    %dma_start3A_31 = arith.constant 0 : i32
    %dma_start3A_32 = tpu.memref_slice %arg5[%dma_start3A, %dma_start3A_31] : memref<40x80xi32, #tpu.memory_space<vmem>> -> memref<1x80xi32, #tpu.memory_space<vmem>>
    %dma_start3A_33 = tpu.memref_squeeze %dma_start3A_32 : memref<1x80xi32, #tpu.memory_space<vmem>> -> memref<80xi32, #tpu.memory_space<vmem>>
    %dma_start3A_34 = arith.constant 0 : i32
    %dma_start3A_35 = arith.constant 0 : i32
    %dma_start3A_36 = tpu.memref_slice %arg2[%dma_start3A_34, %dma_start3A_35] : memref<100000x256xf32, #tpu.memory_space<hbm>> -> memref<100000x256xf32, #tpu.memory_space<hbm>>
    tpu.enqueue_indirect_dma source(%dma_start3A_36 : memref<100000x256xf32, #tpu.memory_space<hbm>>) target(%dma_start3A_30 : memref<80x256xf32, #tpu.memory_space<vmem>>) offsets(%dma_start3A_33 : memref<80xi32, #tpu.memory_space<vmem>>) semaphore(%arg9 : memref<!tpu.dma_semaphore, #tpu.memory_space<semaphore_mem>>)
    %dma_start3A_37 = arith.constant 0 : i32
    %dma_start3A_38 = arith.constant 0 : i32
    %dma_start3A_39 = arith.constant 0 : i32
    %dma_start3A_40 = tpu.memref_slice %arg7[%dma_start3A_37, %dma_start3A_38, %dma_start3A_39] : memref<2x80x256xf32, #tpu.memory_space<vmem>> -> memref<1x80x256xf32, #tpu.memory_space<vmem>>
    %dma_start3A_41 = tpu.memref_squeeze %dma_start3A_40 : memref<1x80x256xf32, #tpu.memory_space<vmem>> -> memref<80x256xf32, #tpu.memory_space<vmem>>
    %dma_start3A_42 = arith.constant 0 : i32
    %dma_start3A_43 = tpu.memref_slice %arg2[%mul3A_25, %dma_start3A_42] : memref<100000x256xf32, #tpu.memory_space<hbm>> -> memref<80x256xf32, #tpu.memory_space<hbm>>
    %dma_start3A_44 = arith.constant 0 : i32
    %dma_start3A_45 = arith.constant 0 : i32
    %dma_start3A_46 = tpu.memref_slice %arg7[%dma_start3A_37, %dma_start3A_44, %dma_start3A_45] : memref<2x80x256xf32, #tpu.memory_space<vmem>> -> memref<1x80x256xf32, #tpu.memory_space<vmem>>
    %dma_start3A_47 = tpu.memref_squeeze %dma_start3A_46 : memref<1x80x256xf32, #tpu.memory_space<vmem>> -> memref<80x256xf32, #tpu.memory_space<vmem>>
    %dma_start3A_48 = arith.constant 0 : i32
    %dma_start3A_49 = tpu.memref_slice %arg2[%mul3A_25, %dma_start3A_48] : memref<100000x256xf32, #tpu.memory_space<hbm>> -> memref<80x256xf32, #tpu.memory_space<hbm>>
    tpu.enqueue_dma source(%dma_start3A_49 : memref<80x256xf32, #tpu.memory_space<hbm>>) target(%dma_start3A_47 : memref<80x256xf32, #tpu.memory_space<vmem>>) target_semaphore(%arg9 : memref<!tpu.dma_semaphore, #tpu.memory_space<semaphore_mem>>)
    %scan3A = arith.constant 0 : i32
    %scan3A_50 = arith.constant 0 : i32
    %scan3A_51 = arith.constant 20 : i32
    %scan3A_52 = arith.addi %scan3A_50, %scan3A_51 : i32
    %scan3A_53 = arith.constant 1 : i32
    scf.for %scan3A_84 = %scan3A_50 to %scan3A_52 step %scan3A_53  : i32 {
      %mul3A_85 = arith.constant 2 : i32
      %mul3A_86 = arith.muli %scan3A_84, %mul3A_85 : i32
      %add3A_87 = arith.constant 0 : i32
      %add3A_88 = arith.addi %mul3A_86, %add3A_87 : i32
      %lt3A_89 = arith.cmpi slt, %add3A_88, %select_n3A : i32
      %convert_element_type3A = arith.extui %lt3A_89 : i1 to i32
      %cond3A = arith.constant 0 : i32
      %cond3A_90 = arith.cmpi ne, %convert_element_type3A, %cond3A : i32
      scf.if %cond3A_90 {
        %add3A_99 = arith.constant 1 : i32
        %add3A_100 = arith.addi %add3A_88, %add3A_99 : i32
        %lt3A_101 = arith.cmpi slt, %add3A_100, %select_n3A : i32
        %convert_element_type3A_102 = arith.extui %lt3A_101 : i1 to i32
        %cond3A_103 = arith.constant 0 : i32
        %cond3A_104 = arith.cmpi ne, %convert_element_type3A_102, %cond3A_103 : i32
        scf.if %cond3A_104 {
          %add3A_163 = arith.constant 1 : i32
          %add3A_164 = arith.addi %add3A_88, %add3A_163 : i32
          %mul3A_165 = arith.constant 32 : i32
          %mul3A_166 = arith.muli %add3A_164, %mul3A_165 : i32
          %add3A_167 = arith.addi %add3A, %mul3A_166 : i32
          %mul3A_168 = arith.constant 80 : i32
          %mul3A_169 = arith.muli %add3A_167, %mul3A_168 : i32
          %dma_start3A_170 = arith.constant 1 : i32
          %dma_start3A_171 = arith.constant 0 : i32
          %dma_start3A_172 = arith.constant 0 : i32
          %dma_start3A_173 = tpu.memref_slice %arg6[%dma_start3A_170, %dma_start3A_171, %dma_start3A_172] : memref<2x80x256xf32, #tpu.memory_space<vmem>> -> memref<1x80x256xf32, #tpu.memory_space<vmem>>
          %dma_start3A_174 = tpu.memref_squeeze %dma_start3A_173 : memref<1x80x256xf32, #tpu.memory_space<vmem>> -> memref<80x256xf32, #tpu.memory_space<vmem>>
          %dma_start3A_175 = arith.constant 0 : i32
          %dma_start3A_176 = tpu.memref_slice %arg5[%add3A_164, %dma_start3A_175] : memref<40x80xi32, #tpu.memory_space<vmem>> -> memref<1x80xi32, #tpu.memory_space<vmem>>
          %dma_start3A_177 = tpu.memref_squeeze %dma_start3A_176 : memref<1x80xi32, #tpu.memory_space<vmem>> -> memref<80xi32, #tpu.memory_space<vmem>>
          %dma_start3A_178 = arith.constant 0 : i32
          %dma_start3A_179 = arith.constant 0 : i32
          %dma_start3A_180 = tpu.memref_slice %arg2[%dma_start3A_178, %dma_start3A_179] : memref<100000x256xf32, #tpu.memory_space<hbm>> -> memref<100000x256xf32, #tpu.memory_space<hbm>>
          tpu.enqueue_indirect_dma source(%dma_start3A_180 : memref<100000x256xf32, #tpu.memory_space<hbm>>) target(%dma_start3A_174 : memref<80x256xf32, #tpu.memory_space<vmem>>) offsets(%dma_start3A_177 : memref<80xi32, #tpu.memory_space<vmem>>) semaphore(%arg10 : memref<!tpu.dma_semaphore, #tpu.memory_space<semaphore_mem>>)
          %dma_start3A_181 = arith.constant 1 : i32
          %dma_start3A_182 = arith.constant 0 : i32
          %dma_start3A_183 = arith.constant 0 : i32
          %dma_start3A_184 = tpu.memref_slice %arg7[%dma_start3A_181, %dma_start3A_182, %dma_start3A_183] : memref<2x80x256xf32, #tpu.memory_space<vmem>> -> memref<1x80x256xf32, #tpu.memory_space<vmem>>
          %dma_start3A_185 = tpu.memref_squeeze %dma_start3A_184 : memref<1x80x256xf32, #tpu.memory_space<vmem>> -> memref<80x256xf32, #tpu.memory_space<vmem>>
          %dma_start3A_186 = arith.constant 0 : i32
          %dma_start3A_187 = tpu.memref_slice %arg2[%mul3A_169, %dma_start3A_186] : memref<100000x256xf32, #tpu.memory_space<hbm>> -> memref<80x256xf32, #tpu.memory_space<hbm>>
          %dma_start3A_188 = arith.constant 0 : i32
          %dma_start3A_189 = arith.constant 0 : i32
          %dma_start3A_190 = tpu.memref_slice %arg7[%dma_start3A_181, %dma_start3A_188, %dma_start3A_189] : memref<2x80x256xf32, #tpu.memory_space<vmem>> -> memref<1x80x256xf32, #tpu.memory_space<vmem>>
          %dma_start3A_191 = tpu.memref_squeeze %dma_start3A_190 : memref<1x80x256xf32, #tpu.memory_space<vmem>> -> memref<80x256xf32, #tpu.memory_space<vmem>>
          %dma_start3A_192 = arith.constant 0 : i32
          %dma_start3A_193 = tpu.memref_slice %arg2[%mul3A_169, %dma_start3A_192] : memref<100000x256xf32, #tpu.memory_space<hbm>> -> memref<80x256xf32, #tpu.memory_space<hbm>>
          tpu.enqueue_dma source(%dma_start3A_193 : memref<80x256xf32, #tpu.memory_space<hbm>>) target(%dma_start3A_191 : memref<80x256xf32, #tpu.memory_space<vmem>>) target_semaphore(%arg10 : memref<!tpu.dma_semaphore, #tpu.memory_space<semaphore_mem>>)
        } else {
        }
        %dma_wait3A_105 = arith.constant 0 : i32
        %dma_wait3A_106 = arith.constant 0 : i32
        %dma_wait3A_107 = arith.constant 0 : i32
        %dma_wait3A_108 = tpu.memref_slice %arg6[%dma_wait3A_105, %dma_wait3A_106, %dma_wait3A_107] : memref<2x80x256xf32, #tpu.memory_space<vmem>> -> memref<1x80x256xf32, #tpu.memory_space<vmem>>
        %dma_wait3A_109 = tpu.memref_squeeze %dma_wait3A_108 : memref<1x80x256xf32, #tpu.memory_space<vmem>> -> memref<80x256xf32, #tpu.memory_space<vmem>>
        %dma_wait3A_110 = arith.constant 0 : i32
        %dma_wait3A_111 = arith.constant 0 : i32
        %dma_wait3A_112 = tpu.memref_slice %arg2[%dma_wait3A_110, %dma_wait3A_111] : memref<100000x256xf32, #tpu.memory_space<hbm>> -> memref<80x256xf32, #tpu.memory_space<hbm>>
        %dma_wait3A_113 = arith.constant 0 : i32
        %dma_wait3A_114 = arith.constant 0 : i32
        %dma_wait3A_115 = tpu.memref_slice %arg6[%dma_wait3A_105, %dma_wait3A_113, %dma_wait3A_114] : memref<2x80x256xf32, #tpu.memory_space<vmem>> -> memref<1x80x256xf32, #tpu.memory_space<vmem>>
        %dma_wait3A_116 = tpu.memref_squeeze %dma_wait3A_115 : memref<1x80x256xf32, #tpu.memory_space<vmem>> -> memref<80x256xf32, #tpu.memory_space<vmem>>
        %dma_wait3A_117 = arith.constant 0 : i32
        %dma_wait3A_118 = arith.constant 0 : i32
        %dma_wait3A_119 = tpu.memref_slice %arg2[%dma_wait3A_117, %dma_wait3A_118] : memref<100000x256xf32, #tpu.memory_space<hbm>> -> memref<80x256xf32, #tpu.memory_space<hbm>>
        tpu.wait_dma2 semaphore(%arg9 : memref<!tpu.dma_semaphore, #tpu.memory_space<semaphore_mem>>) src(%dma_wait3A_119 : memref<80x256xf32, #tpu.memory_space<hbm>>) dst(%dma_wait3A_116 : memref<80x256xf32, #tpu.memory_space<vmem>>)
        %dma_wait3A_120 = arith.constant 0 : i32
        %dma_wait3A_121 = arith.constant 0 : i32
        %dma_wait3A_122 = arith.constant 0 : i32
        %dma_wait3A_123 = tpu.memref_slice %arg7[%dma_wait3A_120, %dma_wait3A_121, %dma_wait3A_122] : memref<2x80x256xf32, #tpu.memory_space<vmem>> -> memref<1x80x256xf32, #tpu.memory_space<vmem>>
        %dma_wait3A_124 = tpu.memref_squeeze %dma_wait3A_123 : memref<1x80x256xf32, #tpu.memory_space<vmem>> -> memref<80x256xf32, #tpu.memory_space<vmem>>
        %dma_wait3A_125 = arith.constant 0 : i32
        %dma_wait3A_126 = arith.constant 0 : i32
        %dma_wait3A_127 = tpu.memref_slice %arg2[%dma_wait3A_125, %dma_wait3A_126] : memref<100000x256xf32, #tpu.memory_space<hbm>> -> memref<80x256xf32, #tpu.memory_space<hbm>>
        %dma_wait3A_128 = arith.constant 0 : i32
        %dma_wait3A_129 = arith.constant 0 : i32
        %dma_wait3A_130 = tpu.memref_slice %arg7[%dma_wait3A_120, %dma_wait3A_128, %dma_wait3A_129] : memref<2x80x256xf32, #tpu.memory_space<vmem>> -> memref<1x80x256xf32, #tpu.memory_space<vmem>>
        %dma_wait3A_131 = tpu.memref_squeeze %dma_wait3A_130 : memref<1x80x256xf32, #tpu.memory_space<vmem>> -> memref<80x256xf32, #tpu.memory_space<vmem>>
        %dma_wait3A_132 = arith.constant 0 : i32
        %dma_wait3A_133 = arith.constant 0 : i32
        %dma_wait3A_134 = tpu.memref_slice %arg2[%dma_wait3A_132, %dma_wait3A_133] : memref<100000x256xf32, #tpu.memory_space<hbm>> -> memref<80x256xf32, #tpu.memory_space<hbm>>
        tpu.wait_dma2 semaphore(%arg9 : memref<!tpu.dma_semaphore, #tpu.memory_space<semaphore_mem>>) src(%dma_wait3A_134 : memref<80x256xf32, #tpu.memory_space<hbm>>) dst(%dma_wait3A_131 : memref<80x256xf32, #tpu.memory_space<vmem>>)
        %ge3A = arith.constant 2 : i32
        %ge3A_135 = arith.cmpi sge, %add3A_88, %ge3A : i32
        %convert_element_type3A_136 = arith.extui %ge3A_135 : i1 to i32
        %cond3A_137 = arith.constant 0 : i32
        %cond3A_138 = arith.cmpi ne, %convert_element_type3A_136, %cond3A_137 : i32
        scf.if %cond3A_138 {
          %dma_wait3A_163 = arith.constant 0 : i32
          %dma_wait3A_164 = arith.constant 0 : i32
          %dma_wait3A_165 = arith.constant 0 : i32
          %dma_wait3A_166 = tpu.memref_slice %arg8[%dma_wait3A_163, %dma_wait3A_164, %dma_wait3A_165] : memref<2x80x256xf32, #tpu.memory_space<vmem>> -> memref<1x80x256xf32, #tpu.memory_space<vmem>>
          %dma_wait3A_167 = tpu.memref_squeeze %dma_wait3A_166 : memref<1x80x256xf32, #tpu.memory_space<vmem>> -> memref<80x256xf32, #tpu.memory_space<vmem>>
          %dma_wait3A_168 = arith.constant 0 : i32
          %dma_wait3A_169 = arith.constant 0 : i32
          %dma_wait3A_170 = tpu.memref_slice %arg2[%dma_wait3A_168, %dma_wait3A_169] : memref<100000x256xf32, #tpu.memory_space<hbm>> -> memref<80x256xf32, #tpu.memory_space<hbm>>
          %dma_wait3A_171 = arith.constant 0 : i32
          %dma_wait3A_172 = arith.constant 0 : i32
          %dma_wait3A_173 = tpu.memref_slice %arg8[%dma_wait3A_163, %dma_wait3A_171, %dma_wait3A_172] : memref<2x80x256xf32, #tpu.memory_space<vmem>> -> memref<1x80x256xf32, #tpu.memory_space<vmem>>
          %dma_wait3A_174 = tpu.memref_squeeze %dma_wait3A_173 : memref<1x80x256xf32, #tpu.memory_space<vmem>> -> memref<80x256xf32, #tpu.memory_space<vmem>>
          %dma_wait3A_175 = arith.constant 0 : i32
          %dma_wait3A_176 = arith.constant 0 : i32
          %dma_wait3A_177 = tpu.memref_slice %arg2[%dma_wait3A_175, %dma_wait3A_176] : memref<100000x256xf32, #tpu.memory_space<hbm>> -> memref<80x256xf32, #tpu.memory_space<hbm>>
          tpu.wait_dma2 semaphore(%arg11 : memref<!tpu.dma_semaphore, #tpu.memory_space<semaphore_mem>>) src(%dma_wait3A_177 : memref<80x256xf32, #tpu.memory_space<hbm>>) dst(%dma_wait3A_174 : memref<80x256xf32, #tpu.memory_space<vmem>>)
        } else {
        }
        %scan3A_139 = arith.constant 0 : i32
        %scan3A_140 = arith.constant 0 : i32
        %scan3A_141 = arith.constant 80 : i32
        %scan3A_142 = arith.addi %scan3A_140, %scan3A_141 : i32
        %scan3A_143 = arith.constant 1 : i32
        scf.for %scan3A_163 = %scan3A_140 to %scan3A_142 step %scan3A_143  : i32 {
          %get3A = arith.constant 0 : i32
          %get3A_164 = arith.index_cast %get3A : i32 to index
          %get3A_165 = arith.index_cast %scan3A_163 : i32 to index
          %get3A_166 = arith.constant 0 : index
          %get3A_167 = tpu.vector_load %arg7[%get3A_164, %get3A_165, %get3A_166] {strides = array<i32>} : memref<2x80x256xf32, #tpu.memory_space<vmem>>, vector<1x1x16xf32>,
          %get3A_168 = vector.shape_cast %get3A_167 : vector<1x1x16xf32> to vector<16xf32>
          %mul3A_169 = arith.constant 0.699999988 : f32
          %mul3A_170 = vector.broadcast %mul3A_169 : f32 to vector<16xf32>
          %mul3A_171 = arith.mulf %get3A_168, %mul3A_170 : vector<16xf32>
          %get3A_172 = arith.constant 0 : i32
          %get3A_173 = arith.index_cast %get3A_172 : i32 to index
          %get3A_174 = arith.index_cast %scan3A_163 : i32 to index
          %get3A_175 = arith.constant 0 : index
          %get3A_176 = tpu.vector_load %arg6[%get3A_173, %get3A_174, %get3A_175] {strides = array<i32>} : memref<2x80x256xf32, #tpu.memory_space<vmem>>, vector<1x1x16xf32>,
          %get3A_177 = vector.shape_cast %get3A_176 : vector<1x1x16xf32> to vector<16xf32>
          %mul3A_178 = arith.constant 3.000000e-01 : f32
          %mul3A_179 = vector.broadcast %mul3A_178 : f32 to vector<16xf32>
          %mul3A_180 = arith.mulf %get3A_177, %mul3A_179 : vector<16xf32>
          %add3A_181 = arith.addf %mul3A_171, %mul3A_180 : vector<16xf32>
          %swap3A = arith.constant 0 : i32
          %swap3A_182 = arith.index_cast %swap3A : i32 to index
          %swap3A_183 = arith.index_cast %scan3A_163 : i32 to index
          %swap3A_184 = arith.constant 0 : index
          %swap3A_185 = tpu.vector_load %arg8[%swap3A_182, %swap3A_183, %swap3A_184] {strides = array<i32>} : memref<2x80x256xf32, #tpu.memory_space<vmem>>, vector<1x1x16xf32>,
          %swap3A_186 = vector.shape_cast %swap3A_185 : vector<1x1x16xf32> to vector<16xf32>
          %swap3A_187 = vector.shape_cast %add3A_181 : vector<16xf32> to vector<1x1x16xf32>
          tpu.vector_store %arg8[%swap3A_182, %swap3A_183, %swap3A_184], %swap3A_187 {strides = array<i32>} : memref<2x80x256xf32, #tpu.memory_space<vmem>>, vector<1x1x16xf32>,
          %get3A_188 = arith.constant 0 : i32
          %get3A_189 = arith.index_cast %get3A_188 : i32 to index
          %get3A_190 = arith.index_cast %scan3A_163 : i32 to index
          %get3A_191 = arith.constant 16 : index
          %get3A_192 = tpu.vector_load %arg7[%get3A_189, %get3A_190, %get3A_191] {strides = array<i32>} : memref<2x80x256xf32, #tpu.memory_space<vmem>>, vector<1x1x16xf32>,
          %get3A_193 = vector.shape_cast %get3A_192 : vector<1x1x16xf32> to vector<16xf32>
          %mul3A_194 = arith.constant 0.699999988 : f32
          %mul3A_195 = vector.broadcast %mul3A_194 : f32 to vector<16xf32>
          %mul3A_196 = arith.mulf %get3A_193, %mul3A_195 : vector<16xf32>
          %get3A_197 = arith.constant 0 : i32
          %get3A_198 = arith.index_cast %get3A_197 : i32 to index
          %get3A_199 = arith.index_cast %scan3A_163 : i32 to index
          %get3A_200 = arith.constant 16 : index
          %get3A_201 = tpu.vector_load %arg6[%get3A_198, %get3A_199, %get3A_200] {strides = array<i32>} : memref<2x80x256xf32, #tpu.memory_space<vmem>>, vector<1x1x16xf32>,
          %get3A_202 = vector.shape_cast %get3A_201 : vector<1x1x16xf32> to vector<16xf32>
          %mul3A_203 = arith.constant 3.000000e-01 : f32
          %mul3A_204 = vector.broadcast %mul3A_203 : f32 to vector<16xf32>
          %mul3A_205 = arith.mulf %get3A_202, %mul3A_204 : vector<16xf32>
          %add3A_206 = arith.addf %mul3A_196, %mul3A_205 : vector<16xf32>
          %swap3A_207 = arith.constant 0 : i32
          %swap3A_208 = arith.index_cast %swap3A_207 : i32 to index
          %swap3A_209 = arith.index_cast %scan3A_163 : i32 to index
          %swap3A_210 = arith.constant 16 : index
          %swap3A_211 = tpu.vector_load %arg8[%swap3A_208, %swap3A_209, %swap3A_210] {strides = array<i32>} : memref<2x80x256xf32, #tpu.memory_space<vmem>>, vector<1x1x16xf32>,
          %swap3A_212 = vector.shape_cast %swap3A_211 : vector<1x1x16xf32> to vector<16xf32>
          %swap3A_213 = vector.shape_cast %add3A_206 : vector<16xf32> to vector<1x1x16xf32>
          tpu.vector_store %arg8[%swap3A_208, %swap3A_209, %swap3A_210], %swap3A_213 {strides = array<i32>} : memref<2x80x256xf32, #tpu.memory_space<vmem>>, vector<1x1x16xf32>,
          %get3A_214 = arith.constant 0 : i32
          %get3A_215 = arith.index_cast %get3A_214 : i32 to index
          %get3A_216 = arith.index_cast %scan3A_163 : i32 to index
          %get3A_217 = arith.constant 32 : index
          %get3A_218 = tpu.vector_load %arg7[%get3A_215, %get3A_216, %get3A_217] {strides = array<i32>} : memref<2x80x256xf32, #tpu.memory_space<vmem>>, vector<1x1x16xf32>,
          %get3A_219 = vector.shape_cast %get3A_218 : vector<1x1x16xf32> to vector<16xf32>
          %mul3A_220 = arith.constant 0.699999988 : f32
          %mul3A_221 = vector.broadcast %mul3A_220 : f32 to vector<16xf32>
          %mul3A_222 = arith.mulf %get3A_219, %mul3A_221 : vector<16xf32>
          %get3A_223 = arith.constant 0 : i32
          %get3A_224 = arith.index_cast %get3A_223 : i32 to index
          %get3A_225 = arith.index_cast %scan3A_163 : i32 to index
          %get3A_226 = arith.constant 32 : index
          %get3A_227 = tpu.vector_load %arg6[%get3A_224, %get3A_225, %get3A_226] {strides = array<i32>} : memref<2x80x256xf32, #tpu.memory_space<vmem>>, vector<1x1x16xf32>,
          %get3A_228 = vector.shape_cast %get3A_227 : vector<1x1x16xf32> to vector<16xf32>
          %mul3A_229 = arith.constant 3.000000e-01 : f32
          %mul3A_230 = vector.broadcast %mul3A_229 : f32 to vector<16xf32>
          %mul3A_231 = arith.mulf %get3A_228, %mul3A_230 : vector<16xf32>
          %add3A_232 = arith.addf %mul3A_222, %mul3A_231 : vector<16xf32>
          %swap3A_233 = arith.constant 0 : i32
          %swap3A_234 = arith.index_cast %swap3A_233 : i32 to index
          %swap3A_235 = arith.index_cast %scan3A_163 : i32 to index
          %swap3A_236 = arith.constant 32 : index
          %swap3A_237 = tpu.vector_load %arg8[%swap3A_234, %swap3A_235, %swap3A_236] {strides = array<i32>} : memref<2x80x256xf32, #tpu.memory_space<vmem>>, vector<1x1x16xf32>,
          %swap3A_238 = vector.shape_cast %swap3A_237 : vector<1x1x16xf32> to vector<16xf32>
          %swap3A_239 = vector.shape_cast %add3A_232 : vector<16xf32> to vector<1x1x16xf32>
          tpu.vector_store %arg8[%swap3A_234, %swap3A_235, %swap3A_236], %swap3A_239 {strides = array<i32>} : memref<2x80x256xf32, #tpu.memory_space<vmem>>, vector<1x1x16xf32>,
          %get3A_240 = arith.constant 0 : i32
          %get3A_241 = arith.index_cast %get3A_240 : i32 to index
          %get3A_242 = arith.index_cast %scan3A_163 : i32 to index
          %get3A_243 = arith.constant 48 : index
          %get3A_244 = tpu.vector_load %arg7[%get3A_241, %get3A_242, %get3A_243] {strides = array<i32>} : memref<2x80x256xf32, #tpu.memory_space<vmem>>, vector<1x1x16xf32>,
          %get3A_245 = vector.shape_cast %get3A_244 : vector<1x1x16xf32> to vector<16xf32>
          %mul3A_246 = arith.constant 0.699999988 : f32
          %mul3A_247 = vector.broadcast %mul3A_246 : f32 to vector<16xf32>
          %mul3A_248 = arith.mulf %get3A_245, %mul3A_247 : vector<16xf32>
          %get3A_249 = arith.constant 0 : i32
          %get3A_250 = arith.index_cast %get3A_249 : i32 to index
          %get3A_251 = arith.index_cast %scan3A_163 : i32 to index
          %get3A_252 = arith.constant 48 : index
          %get3A_253 = tpu.vector_load %arg6[%get3A_250, %get3A_251, %get3A_252] {strides = array<i32>} : memref<2x80x256xf32, #tpu.memory_space<vmem>>, vector<1x1x16xf32>,
          %get3A_254 = vector.shape_cast %get3A_253 : vector<1x1x16xf32> to vector<16xf32>
          %mul3A_255 = arith.constant 3.000000e-01 : f32
          %mul3A_256 = vector.broadcast %mul3A_255 : f32 to vector<16xf32>
          %mul3A_257 = arith.mulf %get3A_254, %mul3A_256 : vector<16xf32>
          %add3A_258 = arith.addf %mul3A_248, %mul3A_257 : vector<16xf32>
          %swap3A_259 = arith.constant 0 : i32
          %swap3A_260 = arith.index_cast %swap3A_259 : i32 to index
          %swap3A_261 = arith.index_cast %scan3A_163 : i32 to index
          %swap3A_262 = arith.constant 48 : index
          %swap3A_263 = tpu.vector_load %arg8[%swap3A_260, %swap3A_261, %swap3A_262] {strides = array<i32>} : memref<2x80x256xf32, #tpu.memory_space<vmem>>, vector<1x1x16xf32>,
          %swap3A_264 = vector.shape_cast %swap3A_263 : vector<1x1x16xf32> to vector<16xf32>
          %swap3A_265 = vector.shape_cast %add3A_258 : vector<16xf32> to vector<1x1x16xf32>
          tpu.vector_store %arg8[%swap3A_260, %swap3A_261, %swap3A_262], %swap3A_265 {strides = array<i32>} : memref<2x80x256xf32, #tpu.memory_space<vmem>>, vector<1x1x16xf32>,
          %get3A_266 = arith.constant 0 : i32
          %get3A_267 = arith.index_cast %get3A_266 : i32 to index
          %get3A_268 = arith.index_cast %scan3A_163 : i32 to index
          %get3A_269 = arith.constant 64 : index
          %get3A_270 = tpu.vector_load %arg7[%get3A_267, %get3A_268, %get3A_269] {strides = array<i32>} : memref<2x80x256xf32, #tpu.memory_space<vmem>>, vector<1x1x16xf32>,
          %get3A_271 = vector.shape_cast %get3A_270 : vector<1x1x16xf32> to vector<16xf32>
          %mul3A_272 = arith.constant 0.699999988 : f32
          %mul3A_273 = vector.broadcast %mul3A_272 : f32 to vector<16xf32>
          %mul3A_274 = arith.mulf %get3A_271, %mul3A_273 : vector<16xf32>
          %get3A_275 = arith.constant 0 : i32
          %get3A_276 = arith.index_cast %get3A_275 : i32 to index
          %get3A_277 = arith.index_cast %scan3A_163 : i32 to index
          %get3A_278 = arith.constant 64 : index
          %get3A_279 = tpu.vector_load %arg6[%get3A_276, %get3A_277, %get3A_278] {strides = array<i32>} : memref<2x80x256xf32, #tpu.memory_space<vmem>>, vector<1x1x16xf32>,
          %get3A_280 = vector.shape_cast %get3A_279 : vector<1x1x16xf32> to vector<16xf32>
          %mul3A_281 = arith.constant 3.000000e-01 : f32
          %mul3A_282 = vector.broadcast %mul3A_281 : f32 to vector<16xf32>
          %mul3A_283 = arith.mulf %get3A_280, %mul3A_282 : vector<16xf32>
          %add3A_284 = arith.addf %mul3A_274, %mul3A_283 : vector<16xf32>
          %swap3A_285 = arith.constant 0 : i32
          %swap3A_286 = arith.index_cast %swap3A_285 : i32 to index
          %swap3A_287 = arith.index_cast %scan3A_163 : i32 to index
          %swap3A_288 = arith.constant 64 : index
          %swap3A_289 = tpu.vector_load %arg8[%swap3A_286, %swap3A_287, %swap3A_288] {strides = array<i32>} : memref<2x80x256xf32, #tpu.memory_space<vmem>>, vector<1x1x16xf32>,
          %swap3A_290 = vector.shape_cast %swap3A_289 : vector<1x1x16xf32> to vector<16xf32>
          %swap3A_291 = vector.shape_cast %add3A_284 : vector<16xf32> to vector<1x1x16xf32>
          tpu.vector_store %arg8[%swap3A_286, %swap3A_287, %swap3A_288], %swap3A_291 {strides = array<i32>} : memref<2x80x256xf32, #tpu.memory_space<vmem>>, vector<1x1x16xf32>,
          %get3A_292 = arith.constant 0 : i32
          %get3A_293 = arith.index_cast %get3A_292 : i32 to index
          %get3A_294 = arith.index_cast %scan3A_163 : i32 to index
          %get3A_295 = arith.constant 80 : index
          %get3A_296 = tpu.vector_load %arg7[%get3A_293, %get3A_294, %get3A_295] {strides = array<i32>} : memref<2x80x256xf32, #tpu.memory_space<vmem>>, vector<1x1x16xf32>,
          %get3A_297 = vector.shape_cast %get3A_296 : vector<1x1x16xf32> to vector<16xf32>
          %mul3A_298 = arith.constant 0.699999988 : f32
          %mul3A_299 = vector.broadcast %mul3A_298 : f32 to vector<16xf32>
          %mul3A_300 = arith.mulf %get3A_297, %mul3A_299 : vector<16xf32>
          %get3A_301 = arith.constant 0 : i32
          %get3A_302 = arith.index_cast %get3A_301 : i32 to index
          %get3A_303 = arith.index_cast %scan3A_163 : i32 to index
          %get3A_304 = arith.constant 80 : index
          %get3A_305 = tpu.vector_load %arg6[%get3A_302, %get3A_303, %get3A_304] {strides = array<i32>} : memref<2x80x256xf32, #tpu.memory_space<vmem>>, vector<1x1x16xf32>,
          %get3A_306 = vector.shape_cast %get3A_305 : vector<1x1x16xf32> to vector<16xf32>
          %mul3A_307 = arith.constant 3.000000e-01 : f32
          %mul3A_308 = vector.broadcast %mul3A_307 : f32 to vector<16xf32>
          %mul3A_309 = arith.mulf %get3A_306, %mul3A_308 : vector<16xf32>
          %add3A_310 = arith.addf %mul3A_300, %mul3A_309 : vector<16xf32>
          %swap3A_311 = arith.constant 0 : i32
          %swap3A_312 = arith.index_cast %swap3A_311 : i32 to index
          %swap3A_313 = arith.index_cast %scan3A_163 : i32 to index
          %swap3A_314 = arith.constant 80 : index
          %swap3A_315 = tpu.vector_load %arg8[%swap3A_312, %swap3A_313, %swap3A_314] {strides = array<i32>} : memref<2x80x256xf32, #tpu.memory_space<vmem>>, vector<1x1x16xf32>,
          %swap3A_316 = vector.shape_cast %swap3A_315 : vector<1x1x16xf32> to vector<16xf32>
          %swap3A_317 = vector.shape_cast %add3A_310 : vector<16xf32> to vector<1x1x16xf32>
          tpu.vector_store %arg8[%swap3A_312, %swap3A_313, %swap3A_314], %swap3A_317 {strides = array<i32>} : memref<2x80x256xf32, #tpu.memory_space<vmem>>, vector<1x1x16xf32>,
          %get3A_318 = arith.constant 0 : i32
          %get3A_319 = arith.index_cast %get3A_318 : i32 to index
          %get3A_320 = arith.index_cast %scan3A_163 : i32 to index
          %get3A_321 = arith.constant 96 : index
          %get3A_322 = tpu.vector_load %arg7[%get3A_319, %get3A_320, %get3A_321] {strides = array<i32>} : memref<2x80x256xf32, #tpu.memory_space<vmem>>, vector<1x1x16xf32>,
          %get3A_323 = vector.shape_cast %get3A_322 : vector<1x1x16xf32> to vector<16xf32>
          %mul3A_324 = arith.constant 0.699999988 : f32
          %mul3A_325 = vector.broadcast %mul3A_324 : f32 to vector<16xf32>
          %mul3A_326 = arith.mulf %get3A_323, %mul3A_325 : vector<16xf32>
          %get3A_327 = arith.constant 0 : i32
          %get3A_328 = arith.index_cast %get3A_327 : i32 to index
          %get3A_329 = arith.index_cast %scan3A_163 : i32 to index
          %get3A_330 = arith.constant 96 : index
          %get3A_331 = tpu.vector_load %arg6[%get3A_328, %get3A_329, %get3A_330] {strides = array<i32>} : memref<2x80x256xf32, #tpu.memory_space<vmem>>, vector<1x1x16xf32>,
          %get3A_332 = vector.shape_cast %get3A_331 : vector<1x1x16xf32> to vector<16xf32>
          %mul3A_333 = arith.constant 3.000000e-01 : f32
          %mul3A_334 = vector.broadcast %mul3A_333 : f32 to vector<16xf32>
          %mul3A_335 = arith.mulf %get3A_332, %mul3A_334 : vector<16xf32>
          %add3A_336 = arith.addf %mul3A_326, %mul3A_335 : vector<16xf32>
          %swap3A_337 = arith.constant 0 : i32
          %swap3A_338 = arith.index_cast %swap3A_337 : i32 to index
          %swap3A_339 = arith.index_cast %scan3A_163 : i32 to index
          %swap3A_340 = arith.constant 96 : index
          %swap3A_341 = tpu.vector_load %arg8[%swap3A_338, %swap3A_339, %swap3A_340] {strides = array<i32>} : memref<2x80x256xf32, #tpu.memory_space<vmem>>, vector<1x1x16xf32>,
          %swap3A_342 = vector.shape_cast %swap3A_341 : vector<1x1x16xf32> to vector<16xf32>
          %swap3A_343 = vector.shape_cast %add3A_336 : vector<16xf32> to vector<1x1x16xf32>
          tpu.vector_store %arg8[%swap3A_338, %swap3A_339, %swap3A_340], %swap3A_343 {strides = array<i32>} : memref<2x80x256xf32, #tpu.memory_space<vmem>>, vector<1x1x16xf32>,
          %get3A_344 = arith.constant 0 : i32
          %get3A_345 = arith.index_cast %get3A_344 : i32 to index
          %get3A_346 = arith.index_cast %scan3A_163 : i32 to index
          %get3A_347 = arith.constant 112 : index
          %get3A_348 = tpu.vector_load %arg7[%get3A_345, %get3A_346, %get3A_347] {strides = array<i32>} : memref<2x80x256xf32, #tpu.memory_space<vmem>>, vector<1x1x16xf32>,
          %get3A_349 = vector.shape_cast %get3A_348 : vector<1x1x16xf32> to vector<16xf32>
          %mul3A_350 = arith.constant 0.699999988 : f32
          %mul3A_351 = vector.broadcast %mul3A_350 : f32 to vector<16xf32>
          %mul3A_352 = arith.mulf %get3A_349, %mul3A_351 : vector<16xf32>
          %get3A_353 = arith.constant 0 : i32
          %get3A_354 = arith.index_cast %get3A_353 : i32 to index
          %get3A_355 = arith.index_cast %scan3A_163 : i32 to index
          %get3A_356 = arith.constant 112 : index
          %get3A_357 = tpu.vector_load %arg6[%get3A_354, %get3A_355, %get3A_356] {strides = array<i32>} : memref<2x80x256xf32, #tpu.memory_space<vmem>>, vector<1x1x16xf32>,
          %get3A_358 = vector.shape_cast %get3A_357 : vector<1x1x16xf32> to vector<16xf32>
          %mul3A_359 = arith.constant 3.000000e-01 : f32
          %mul3A_360 = vector.broadcast %mul3A_359 : f32 to vector<16xf32>
          %mul3A_361 = arith.mulf %get3A_358, %mul3A_360 : vector<16xf32>
          %add3A_362 = arith.addf %mul3A_352, %mul3A_361 : vector<16xf32>
          %swap3A_363 = arith.constant 0 : i32
          %swap3A_364 = arith.index_cast %swap3A_363 : i32 to index
          %swap3A_365 = arith.index_cast %scan3A_163 : i32 to index
          %swap3A_366 = arith.constant 112 : index
          %swap3A_367 = tpu.vector_load %arg8[%swap3A_364, %swap3A_365, %swap3A_366] {strides = array<i32>} : memref<2x80x256xf32, #tpu.memory_space<vmem>>, vector<1x1x16xf32>,
          %swap3A_368 = vector.shape_cast %swap3A_367 : vector<1x1x16xf32> to vector<16xf32>
          %swap3A_369 = vector.shape_cast %add3A_362 : vector<16xf32> to vector<1x1x16xf32>
          tpu.vector_store %arg8[%swap3A_364, %swap3A_365, %swap3A_366], %swap3A_369 {strides = array<i32>} : memref<2x80x256xf32, #tpu.memory_space<vmem>>, vector<1x1x16xf32>,
          %get3A_370 = arith.constant 0 : i32
          %get3A_371 = arith.index_cast %get3A_370 : i32 to index
          %get3A_372 = arith.index_cast %scan3A_163 : i32 to index
          %get3A_373 = arith.constant 128 : index
          %get3A_374 = tpu.vector_load %arg7[%get3A_371, %get3A_372, %get3A_373] {strides = array<i32>} : memref<2x80x256xf32, #tpu.memory_space<vmem>>, vector<1x1x16xf32>,
          %get3A_375 = vector.shape_cast %get3A_374 : vector<1x1x16xf32> to vector<16xf32>
          %mul3A_376 = arith.constant 0.699999988 : f32
          %mul3A_377 = vector.broadcast %mul3A_376 : f32 to vector<16xf32>
          %mul3A_378 = arith.mulf %get3A_375, %mul3A_377 : vector<16xf32>
          %get3A_379 = arith.constant 0 : i32
          %get3A_380 = arith.index_cast %get3A_379 : i32 to index
          %get3A_381 = arith.index_cast %scan3A_163 : i32 to index
          %get3A_382 = arith.constant 128 : index
          %get3A_383 = tpu.vector_load %arg6[%get3A_380, %get3A_381, %get3A_382] {strides = array<i32>} : memref<2x80x256xf32, #tpu.memory_space<vmem>>, vector<1x1x16xf32>,
          %get3A_384 = vector.shape_cast %get3A_383 : vector<1x1x16xf32> to vector<16xf32>
          %mul3A_385 = arith.constant 3.000000e-01 : f32
          %mul3A_386 = vector.broadcast %mul3A_385 : f32 to vector<16xf32>
          %mul3A_387 = arith.mulf %get3A_384, %mul3A_386 : vector<16xf32>
          %add3A_388 = arith.addf %mul3A_378, %mul3A_387 : vector<16xf32>
          %swap3A_389 = arith.constant 0 : i32
          %swap3A_390 = arith.index_cast %swap3A_389 : i32 to index
          %swap3A_391 = arith.index_cast %scan3A_163 : i32 to index
          %swap3A_392 = arith.constant 128 : index
          %swap3A_393 = tpu.vector_load %arg8[%swap3A_390, %swap3A_391, %swap3A_392] {strides = array<i32>} : memref<2x80x256xf32, #tpu.memory_space<vmem>>, vector<1x1x16xf32>,
          %swap3A_394 = vector.shape_cast %swap3A_393 : vector<1x1x16xf32> to vector<16xf32>
          %swap3A_395 = vector.shape_cast %add3A_388 : vector<16xf32> to vector<1x1x16xf32>
          tpu.vector_store %arg8[%swap3A_390, %swap3A_391, %swap3A_392], %swap3A_395 {strides = array<i32>} : memref<2x80x256xf32, #tpu.memory_space<vmem>>, vector<1x1x16xf32>,
          %get3A_396 = arith.constant 0 : i32
          %get3A_397 = arith.index_cast %get3A_396 : i32 to index
          %get3A_398 = arith.index_cast %scan3A_163 : i32 to index
          %get3A_399 = arith.constant 144 : index
          %get3A_400 = tpu.vector_load %arg7[%get3A_397, %get3A_398, %get3A_399] {strides = array<i32>} : memref<2x80x256xf32, #tpu.memory_space<vmem>>, vector<1x1x16xf32>,
          %get3A_401 = vector.shape_cast %get3A_400 : vector<1x1x16xf32> to vector<16xf32>
          %mul3A_402 = arith.constant 0.699999988 : f32
          %mul3A_403 = vector.broadcast %mul3A_402 : f32 to vector<16xf32>
          %mul3A_404 = arith.mulf %get3A_401, %mul3A_403 : vector<16xf32>
          %get3A_405 = arith.constant 0 : i32
          %get3A_406 = arith.index_cast %get3A_405 : i32 to index
          %get3A_407 = arith.index_cast %scan3A_163 : i32 to index
          %get3A_408 = arith.constant 144 : index
          %get3A_409 = tpu.vector_load %arg6[%get3A_406, %get3A_407, %get3A_408] {strides = array<i32>} : memref<2x80x256xf32, #tpu.memory_space<vmem>>, vector<1x1x16xf32>,
          %get3A_410 = vector.shape_cast %get3A_409 : vector<1x1x16xf32> to vector<16xf32>
          %mul3A_411 = arith.constant 3.000000e-01 : f32
          %mul3A_412 = vector.broadcast %mul3A_411 : f32 to vector<16xf32>
          %mul3A_413 = arith.mulf %get3A_410, %mul3A_412 : vector<16xf32>
          %add3A_414 = arith.addf %mul3A_404, %mul3A_413 : vector<16xf32>
          %swap3A_415 = arith.constant 0 : i32
          %swap3A_416 = arith.index_cast %swap3A_415 : i32 to index
          %swap3A_417 = arith.index_cast %scan3A_163 : i32 to index
          %swap3A_418 = arith.constant 144 : index
          %swap3A_419 = tpu.vector_load %arg8[%swap3A_416, %swap3A_417, %swap3A_418] {strides = array<i32>} : memref<2x80x256xf32, #tpu.memory_space<vmem>>, vector<1x1x16xf32>,
          %swap3A_420 = vector.shape_cast %swap3A_419 : vector<1x1x16xf32> to vector<16xf32>
          %swap3A_421 = vector.shape_cast %add3A_414 : vector<16xf32> to vector<1x1x16xf32>
          tpu.vector_store %arg8[%swap3A_416, %swap3A_417, %swap3A_418], %swap3A_421 {strides = array<i32>} : memref<2x80x256xf32, #tpu.memory_space<vmem>>, vector<1x1x16xf32>,
          %get3A_422 = arith.constant 0 : i32
          %get3A_423 = arith.index_cast %get3A_422 : i32 to index
          %get3A_424 = arith.index_cast %scan3A_163 : i32 to index
          %get3A_425 = arith.constant 160 : index
          %get3A_426 = tpu.vector_load %arg7[%get3A_423, %get3A_424, %get3A_425] {strides = array<i32>} : memref<2x80x256xf32, #tpu.memory_space<vmem>>, vector<1x1x16xf32>,
          %get3A_427 = vector.shape_cast %get3A_426 : vector<1x1x16xf32> to vector<16xf32>
          %mul3A_428 = arith.constant 0.699999988 : f32
          %mul3A_429 = vector.broadcast %mul3A_428 : f32 to vector<16xf32>
          %mul3A_430 = arith.mulf %get3A_427, %mul3A_429 : vector<16xf32>
          %get3A_431 = arith.constant 0 : i32
          %get3A_432 = arith.index_cast %get3A_431 : i32 to index
          %get3A_433 = arith.index_cast %scan3A_163 : i32 to index
          %get3A_434 = arith.constant 160 : index
          %get3A_435 = tpu.vector_load %arg6[%get3A_432, %get3A_433, %get3A_434] {strides = array<i32>} : memref<2x80x256xf32, #tpu.memory_space<vmem>>, vector<1x1x16xf32>,
          %get3A_436 = vector.shape_cast %get3A_435 : vector<1x1x16xf32> to vector<16xf32>
          %mul3A_437 = arith.constant 3.000000e-01 : f32
          %mul3A_438 = vector.broadcast %mul3A_437 : f32 to vector<16xf32>
          %mul3A_439 = arith.mulf %get3A_436, %mul3A_438 : vector<16xf32>
          %add3A_440 = arith.addf %mul3A_430, %mul3A_439 : vector<16xf32>
          %swap3A_441 = arith.constant 0 : i32
          %swap3A_442 = arith.index_cast %swap3A_441 : i32 to index
          %swap3A_443 = arith.index_cast %scan3A_163 : i32 to index
          %swap3A_444 = arith.constant 160 : index
          %swap3A_445 = tpu.vector_load %arg8[%swap3A_442, %swap3A_443, %swap3A_444] {strides = array<i32>} : memref<2x80x256xf32, #tpu.memory_space<vmem>>, vector<1x1x16xf32>,
          %swap3A_446 = vector.shape_cast %swap3A_445 : vector<1x1x16xf32> to vector<16xf32>
          %swap3A_447 = vector.shape_cast %add3A_440 : vector<16xf32> to vector<1x1x16xf32>
          tpu.vector_store %arg8[%swap3A_442, %swap3A_443, %swap3A_444], %swap3A_447 {strides = array<i32>} : memref<2x80x256xf32, #tpu.memory_space<vmem>>, vector<1x1x16xf32>,
          %get3A_448 = arith.constant 0 : i32
          %get3A_449 = arith.index_cast %get3A_448 : i32 to index
          %get3A_450 = arith.index_cast %scan3A_163 : i32 to index
          %get3A_451 = arith.constant 176 : index
          %get3A_452 = tpu.vector_load %arg7[%get3A_449, %get3A_450, %get3A_451] {strides = array<i32>} : memref<2x80x256xf32, #tpu.memory_space<vmem>>, vector<1x1x16xf32>,
          %get3A_453 = vector.shape_cast %get3A_452 : vector<1x1x16xf32> to vector<16xf32>
          %mul3A_454 = arith.constant 0.699999988 : f32
          %mul3A_455 = vector.broadcast %mul3A_454 : f32 to vector<16xf32>
          %mul3A_456 = arith.mulf %get3A_453, %mul3A_455 : vector<16xf32>
          %get3A_457 = arith.constant 0 : i32
          %get3A_458 = arith.index_cast %get3A_457 : i32 to index
          %get3A_459 = arith.index_cast %scan3A_163 : i32 to index
          %get3A_460 = arith.constant 176 : index
          %get3A_461 = tpu.vector_load %arg6[%get3A_458, %get3A_459, %get3A_460] {strides = array<i32>} : memref<2x80x256xf32, #tpu.memory_space<vmem>>, vector<1x1x16xf32>,
          %get3A_462 = vector.shape_cast %get3A_461 : vector<1x1x16xf32> to vector<16xf32>
          %mul3A_463 = arith.constant 3.000000e-01 : f32
          %mul3A_464 = vector.broadcast %mul3A_463 : f32 to vector<16xf32>
          %mul3A_465 = arith.mulf %get3A_462, %mul3A_464 : vector<16xf32>
          %add3A_466 = arith.addf %mul3A_456, %mul3A_465 : vector<16xf32>
          %swap3A_467 = arith.constant 0 : i32
          %swap3A_468 = arith.index_cast %swap3A_467 : i32 to index
          %swap3A_469 = arith.index_cast %scan3A_163 : i32 to index
          %swap3A_470 = arith.constant 176 : index
          %swap3A_471 = tpu.vector_load %arg8[%swap3A_468, %swap3A_469, %swap3A_470] {strides = array<i32>} : memref<2x80x256xf32, #tpu.memory_space<vmem>>, vector<1x1x16xf32>,
          %swap3A_472 = vector.shape_cast %swap3A_471 : vector<1x1x16xf32> to vector<16xf32>
          %swap3A_473 = vector.shape_cast %add3A_466 : vector<16xf32> to vector<1x1x16xf32>
          tpu.vector_store %arg8[%swap3A_468, %swap3A_469, %swap3A_470], %swap3A_473 {strides = array<i32>} : memref<2x80x256xf32, #tpu.memory_space<vmem>>, vector<1x1x16xf32>,
          %get3A_474 = arith.constant 0 : i32
          %get3A_475 = arith.index_cast %get3A_474 : i32 to index
          %get3A_476 = arith.index_cast %scan3A_163 : i32 to index
          %get3A_477 = arith.constant 192 : index
          %get3A_478 = tpu.vector_load %arg7[%get3A_475, %get3A_476, %get3A_477] {strides = array<i32>} : memref<2x80x256xf32, #tpu.memory_space<vmem>>, vector<1x1x16xf32>,
          %get3A_479 = vector.shape_cast %get3A_478 : vector<1x1x16xf32> to vector<16xf32>
          %mul3A_480 = arith.constant 0.699999988 : f32
          %mul3A_481 = vector.broadcast %mul3A_480 : f32 to vector<16xf32>
          %mul3A_482 = arith.mulf %get3A_479, %mul3A_481 : vector<16xf32>
          %get3A_483 = arith.constant 0 : i32
          %get3A_484 = arith.index_cast %get3A_483 : i32 to index
          %get3A_485 = arith.index_cast %scan3A_163 : i32 to index
          %get3A_486 = arith.constant 192 : index
          %get3A_487 = tpu.vector_load %arg6[%get3A_484, %get3A_485, %get3A_486] {strides = array<i32>} : memref<2x80x256xf32, #tpu.memory_space<vmem>>, vector<1x1x16xf32>,
          %get3A_488 = vector.shape_cast %get3A_487 : vector<1x1x16xf32> to vector<16xf32>
          %mul3A_489 = arith.constant 3.000000e-01 : f32
          %mul3A_490 = vector.broadcast %mul3A_489 : f32 to vector<16xf32>
          %mul3A_491 = arith.mulf %get3A_488, %mul3A_490 : vector<16xf32>
          %add3A_492 = arith.addf %mul3A_482, %mul3A_491 : vector<16xf32>
          %swap3A_493 = arith.constant 0 : i32
          %swap3A_494 = arith.index_cast %swap3A_493 : i32 to index
          %swap3A_495 = arith.index_cast %scan3A_163 : i32 to index
          %swap3A_496 = arith.constant 192 : index
          %swap3A_497 = tpu.vector_load %arg8[%swap3A_494, %swap3A_495, %swap3A_496] {strides = array<i32>} : memref<2x80x256xf32, #tpu.memory_space<vmem>>, vector<1x1x16xf32>,
          %swap3A_498 = vector.shape_cast %swap3A_497 : vector<1x1x16xf32> to vector<16xf32>
          %swap3A_499 = vector.shape_cast %add3A_492 : vector<16xf32> to vector<1x1x16xf32>
          tpu.vector_store %arg8[%swap3A_494, %swap3A_495, %swap3A_496], %swap3A_499 {strides = array<i32>} : memref<2x80x256xf32, #tpu.memory_space<vmem>>, vector<1x1x16xf32>,
          %get3A_500 = arith.constant 0 : i32
          %get3A_501 = arith.index_cast %get3A_500 : i32 to index
          %get3A_502 = arith.index_cast %scan3A_163 : i32 to index
          %get3A_503 = arith.constant 208 : index
          %get3A_504 = tpu.vector_load %arg7[%get3A_501, %get3A_502, %get3A_503] {strides = array<i32>} : memref<2x80x256xf32, #tpu.memory_space<vmem>>, vector<1x1x16xf32>,
          %get3A_505 = vector.shape_cast %get3A_504 : vector<1x1x16xf32> to vector<16xf32>
          %mul3A_506 = arith.constant 0.699999988 : f32
          %mul3A_507 = vector.broadcast %mul3A_506 : f32 to vector<16xf32>
          %mul3A_508 = arith.mulf %get3A_505, %mul3A_507 : vector<16xf32>
          %get3A_509 = arith.constant 0 : i32
          %get3A_510 = arith.index_cast %get3A_509 : i32 to index
          %get3A_511 = arith.index_cast %scan3A_163 : i32 to index
          %get3A_512 = arith.constant 208 : index
          %get3A_513 = tpu.vector_load %arg6[%get3A_510, %get3A_511, %get3A_512] {strides = array<i32>} : memref<2x80x256xf32, #tpu.memory_space<vmem>>, vector<1x1x16xf32>,
          %get3A_514 = vector.shape_cast %get3A_513 : vector<1x1x16xf32> to vector<16xf32>
          %mul3A_515 = arith.constant 3.000000e-01 : f32
          %mul3A_516 = vector.broadcast %mul3A_515 : f32 to vector<16xf32>
          %mul3A_517 = arith.mulf %get3A_514, %mul3A_516 : vector<16xf32>
          %add3A_518 = arith.addf %mul3A_508, %mul3A_517 : vector<16xf32>
          %swap3A_519 = arith.constant 0 : i32
          %swap3A_520 = arith.index_cast %swap3A_519 : i32 to index
          %swap3A_521 = arith.index_cast %scan3A_163 : i32 to index
          %swap3A_522 = arith.constant 208 : index
          %swap3A_523 = tpu.vector_load %arg8[%swap3A_520, %swap3A_521, %swap3A_522] {strides = array<i32>} : memref<2x80x256xf32, #tpu.memory_space<vmem>>, vector<1x1x16xf32>,
          %swap3A_524 = vector.shape_cast %swap3A_523 : vector<1x1x16xf32> to vector<16xf32>
          %swap3A_525 = vector.shape_cast %add3A_518 : vector<16xf32> to vector<1x1x16xf32>
          tpu.vector_store %arg8[%swap3A_520, %swap3A_521, %swap3A_522], %swap3A_525 {strides = array<i32>} : memref<2x80x256xf32, #tpu.memory_space<vmem>>, vector<1x1x16xf32>,
          %get3A_526 = arith.constant 0 : i32
          %get3A_527 = arith.index_cast %get3A_526 : i32 to index
          %get3A_528 = arith.index_cast %scan3A_163 : i32 to index
          %get3A_529 = arith.constant 224 : index
          %get3A_530 = tpu.vector_load %arg7[%get3A_527, %get3A_528, %get3A_529] {strides = array<i32>} : memref<2x80x256xf32, #tpu.memory_space<vmem>>, vector<1x1x16xf32>,
          %get3A_531 = vector.shape_cast %get3A_530 : vector<1x1x16xf32> to vector<16xf32>
          %mul3A_532 = arith.constant 0.699999988 : f32
          %mul3A_533 = vector.broadcast %mul3A_532 : f32 to vector<16xf32>
          %mul3A_534 = arith.mulf %get3A_531, %mul3A_533 : vector<16xf32>
          %get3A_535 = arith.constant 0 : i32
          %get3A_536 = arith.index_cast %get3A_535 : i32 to index
          %get3A_537 = arith.index_cast %scan3A_163 : i32 to index
          %get3A_538 = arith.constant 224 : index
          %get3A_539 = tpu.vector_load %arg6[%get3A_536, %get3A_537, %get3A_538] {strides = array<i32>} : memref<2x80x256xf32, #tpu.memory_space<vmem>>, vector<1x1x16xf32>,
          %get3A_540 = vector.shape_cast %get3A_539 : vector<1x1x16xf32> to vector<16xf32>
          %mul3A_541 = arith.constant 3.000000e-01 : f32
          %mul3A_542 = vector.broadcast %mul3A_541 : f32 to vector<16xf32>
          %mul3A_543 = arith.mulf %get3A_540, %mul3A_542 : vector<16xf32>
          %add3A_544 = arith.addf %mul3A_534, %mul3A_543 : vector<16xf32>
          %swap3A_545 = arith.constant 0 : i32
          %swap3A_546 = arith.index_cast %swap3A_545 : i32 to index
          %swap3A_547 = arith.index_cast %scan3A_163 : i32 to index
          %swap3A_548 = arith.constant 224 : index
          %swap3A_549 = tpu.vector_load %arg8[%swap3A_546, %swap3A_547, %swap3A_548] {strides = array<i32>} : memref<2x80x256xf32, #tpu.memory_space<vmem>>, vector<1x1x16xf32>,
          %swap3A_550 = vector.shape_cast %swap3A_549 : vector<1x1x16xf32> to vector<16xf32>
          %swap3A_551 = vector.shape_cast %add3A_544 : vector<16xf32> to vector<1x1x16xf32>
          tpu.vector_store %arg8[%swap3A_546, %swap3A_547, %swap3A_548], %swap3A_551 {strides = array<i32>} : memref<2x80x256xf32, #tpu.memory_space<vmem>>, vector<1x1x16xf32>,
          %get3A_552 = arith.constant 0 : i32
          %get3A_553 = arith.index_cast %get3A_552 : i32 to index
          %get3A_554 = arith.index_cast %scan3A_163 : i32 to index
          %get3A_555 = arith.constant 240 : index
          %get3A_556 = tpu.vector_load %arg7[%get3A_553, %get3A_554, %get3A_555] {strides = array<i32>} : memref<2x80x256xf32, #tpu.memory_space<vmem>>, vector<1x1x16xf32>,
          %get3A_557 = vector.shape_cast %get3A_556 : vector<1x1x16xf32> to vector<16xf32>
          %mul3A_558 = arith.constant 0.699999988 : f32
          %mul3A_559 = vector.broadcast %mul3A_558 : f32 to vector<16xf32>
          %mul3A_560 = arith.mulf %get3A_557, %mul3A_559 : vector<16xf32>
          %get3A_561 = arith.constant 0 : i32
          %get3A_562 = arith.index_cast %get3A_561 : i32 to index
          %get3A_563 = arith.index_cast %scan3A_163 : i32 to index
          %get3A_564 = arith.constant 240 : index
          %get3A_565 = tpu.vector_load %arg6[%get3A_562, %get3A_563, %get3A_564] {strides = array<i32>} : memref<2x80x256xf32, #tpu.memory_space<vmem>>, vector<1x1x16xf32>,
          %get3A_566 = vector.shape_cast %get3A_565 : vector<1x1x16xf32> to vector<16xf32>
          %mul3A_567 = arith.constant 3.000000e-01 : f32
          %mul3A_568 = vector.broadcast %mul3A_567 : f32 to vector<16xf32>
          %mul3A_569 = arith.mulf %get3A_566, %mul3A_568 : vector<16xf32>
          %add3A_570 = arith.addf %mul3A_560, %mul3A_569 : vector<16xf32>
          %swap3A_571 = arith.constant 0 : i32
          %swap3A_572 = arith.index_cast %swap3A_571 : i32 to index
          %swap3A_573 = arith.index_cast %scan3A_163 : i32 to index
          %swap3A_574 = arith.constant 240 : index
          %swap3A_575 = tpu.vector_load %arg8[%swap3A_572, %swap3A_573, %swap3A_574] {strides = array<i32>} : memref<2x80x256xf32, #tpu.memory_space<vmem>>, vector<1x1x16xf32>,
          %swap3A_576 = vector.shape_cast %swap3A_575 : vector<1x1x16xf32> to vector<16xf32>
          %swap3A_577 = vector.shape_cast %add3A_570 : vector<16xf32> to vector<1x1x16xf32>
          tpu.vector_store %arg8[%swap3A_572, %swap3A_573, %swap3A_574], %swap3A_577 {strides = array<i32>} : memref<2x80x256xf32, #tpu.memory_space<vmem>>, vector<1x1x16xf32>,
        }
        %scan3A_144 = arith.constant 80 : i32
        %mul3A_145 = arith.constant 32 : i32
        %mul3A_146 = arith.muli %add3A_88, %mul3A_145 : i32
        %add3A_147 = arith.addi %add3A, %mul3A_146 : i32
        %mul3A_148 = arith.constant 80 : i32
        %mul3A_149 = arith.muli %add3A_147, %mul3A_148 : i32
        %dma_start3A_150 = arith.constant 0 : i32
        %dma_start3A_151 = arith.constant 0 : i32
        %dma_start3A_152 = arith.constant 0 : i32
        %dma_start3A_153 = tpu.memref_slice %arg8[%dma_start3A_150, %dma_start3A_151, %dma_start3A_152] : memref<2x80x256xf32, #tpu.memory_space<vmem>> -> memref<1x80x256xf32, #tpu.memory_space<vmem>>
        %dma_start3A_154 = tpu.memref_squeeze %dma_start3A_153 : memref<1x80x256xf32, #tpu.memory_space<vmem>> -> memref<80x256xf32, #tpu.memory_space<vmem>>
        %dma_start3A_155 = arith.constant 0 : i32
        %dma_start3A_156 = tpu.memref_slice %arg4[%mul3A_149, %dma_start3A_155] : memref<100000x256xf32, #tpu.memory_space<hbm>> -> memref<80x256xf32, #tpu.memory_space<hbm>>
        %dma_start3A_157 = arith.constant 0 : i32
        %dma_start3A_158 = tpu.memref_slice %arg4[%mul3A_149, %dma_start3A_157] : memref<100000x256xf32, #tpu.memory_space<hbm>> -> memref<80x256xf32, #tpu.memory_space<hbm>>
        %dma_start3A_159 = arith.constant 0 : i32
        %dma_start3A_160 = arith.constant 0 : i32
        %dma_start3A_161 = tpu.memref_slice %arg8[%dma_start3A_150, %dma_start3A_159, %dma_start3A_160] : memref<2x80x256xf32, #tpu.memory_space<vmem>> -> memref<1x80x256xf32, #tpu.memory_space<vmem>>
        %dma_start3A_162 = tpu.memref_squeeze %dma_start3A_161 : memref<1x80x256xf32, #tpu.memory_space<vmem>> -> memref<80x256xf32, #tpu.memory_space<vmem>>
        tpu.enqueue_dma source(%dma_start3A_162 : memref<80x256xf32, #tpu.memory_space<vmem>>) target(%dma_start3A_158 : memref<80x256xf32, #tpu.memory_space<hbm>>) target_semaphore(%arg11 : memref<!tpu.dma_semaphore, #tpu.memory_space<semaphore_mem>>)
      } else {
      }
      %mul3A_91 = arith.constant 2 : i32
      %mul3A_92 = arith.muli %scan3A_84, %mul3A_91 : i32
      %add3A_93 = arith.constant 1 : i32
      %add3A_94 = arith.addi %mul3A_92, %add3A_93 : i32
      %lt3A_95 = arith.cmpi slt, %add3A_94, %select_n3A : i32
      %convert_element_type3A_96 = arith.extui %lt3A_95 : i1 to i32
      %cond3A_97 = arith.constant 0 : i32
      %cond3A_98 = arith.cmpi ne, %convert_element_type3A_96, %cond3A_97 : i32
      scf.if %cond3A_98 {
        %add3A_99 = arith.constant 1 : i32
        %add3A_100 = arith.addi %add3A_94, %add3A_99 : i32
        %lt3A_101 = arith.cmpi slt, %add3A_100, %select_n3A : i32
        %convert_element_type3A_102 = arith.extui %lt3A_101 : i1 to i32
        %cond3A_103 = arith.constant 0 : i32
        %cond3A_104 = arith.cmpi ne, %convert_element_type3A_102, %cond3A_103 : i32
        scf.if %cond3A_104 {
          %add3A_163 = arith.constant 1 : i32
          %add3A_164 = arith.addi %add3A_94, %add3A_163 : i32
          %mul3A_165 = arith.constant 32 : i32
          %mul3A_166 = arith.muli %add3A_164, %mul3A_165 : i32
          %add3A_167 = arith.addi %add3A, %mul3A_166 : i32
          %mul3A_168 = arith.constant 80 : i32
          %mul3A_169 = arith.muli %add3A_167, %mul3A_168 : i32
          %dma_start3A_170 = arith.constant 0 : i32
          %dma_start3A_171 = arith.constant 0 : i32
          %dma_start3A_172 = arith.constant 0 : i32
          %dma_start3A_173 = tpu.memref_slice %arg6[%dma_start3A_170, %dma_start3A_171, %dma_start3A_172] : memref<2x80x256xf32, #tpu.memory_space<vmem>> -> memref<1x80x256xf32, #tpu.memory_space<vmem>>
          %dma_start3A_174 = tpu.memref_squeeze %dma_start3A_173 : memref<1x80x256xf32, #tpu.memory_space<vmem>> -> memref<80x256xf32, #tpu.memory_space<vmem>>
          %dma_start3A_175 = arith.constant 0 : i32
          %dma_start3A_176 = tpu.memref_slice %arg5[%add3A_164, %dma_start3A_175] : memref<40x80xi32, #tpu.memory_space<vmem>> -> memref<1x80xi32, #tpu.memory_space<vmem>>
          %dma_start3A_177 = tpu.memref_squeeze %dma_start3A_176 : memref<1x80xi32, #tpu.memory_space<vmem>> -> memref<80xi32, #tpu.memory_space<vmem>>
          %dma_start3A_178 = arith.constant 0 : i32
          %dma_start3A_179 = arith.constant 0 : i32
          %dma_start3A_180 = tpu.memref_slice %arg2[%dma_start3A_178, %dma_start3A_179] : memref<100000x256xf32, #tpu.memory_space<hbm>> -> memref<100000x256xf32, #tpu.memory_space<hbm>>
          tpu.enqueue_indirect_dma source(%dma_start3A_180 : memref<100000x256xf32, #tpu.memory_space<hbm>>) target(%dma_start3A_174 : memref<80x256xf32, #tpu.memory_space<vmem>>) offsets(%dma_start3A_177 : memref<80xi32, #tpu.memory_space<vmem>>) semaphore(%arg9 : memref<!tpu.dma_semaphore, #tpu.memory_space<semaphore_mem>>)
          %dma_start3A_181 = arith.constant 0 : i32
          %dma_start3A_182 = arith.constant 0 : i32
          %dma_start3A_183 = arith.constant 0 : i32
          %dma_start3A_184 = tpu.memref_slice %arg7[%dma_start3A_181, %dma_start3A_182, %dma_start3A_183] : memref<2x80x256xf32, #tpu.memory_space<vmem>> -> memref<1x80x256xf32, #tpu.memory_space<vmem>>
          %dma_start3A_185 = tpu.memref_squeeze %dma_start3A_184 : memref<1x80x256xf32, #tpu.memory_space<vmem>> -> memref<80x256xf32, #tpu.memory_space<vmem>>
          %dma_start3A_186 = arith.constant 0 : i32
          %dma_start3A_187 = tpu.memref_slice %arg2[%mul3A_169, %dma_start3A_186] : memref<100000x256xf32, #tpu.memory_space<hbm>> -> memref<80x256xf32, #tpu.memory_space<hbm>>
          %dma_start3A_188 = arith.constant 0 : i32
          %dma_start3A_189 = arith.constant 0 : i32
          %dma_start3A_190 = tpu.memref_slice %arg7[%dma_start3A_181, %dma_start3A_188, %dma_start3A_189] : memref<2x80x256xf32, #tpu.memory_space<vmem>> -> memref<1x80x256xf32, #tpu.memory_space<vmem>>
          %dma_start3A_191 = tpu.memref_squeeze %dma_start3A_190 : memref<1x80x256xf32, #tpu.memory_space<vmem>> -> memref<80x256xf32, #tpu.memory_space<vmem>>
          %dma_start3A_192 = arith.constant 0 : i32
          %dma_start3A_193 = tpu.memref_slice %arg2[%mul3A_169, %dma_start3A_192] : memref<100000x256xf32, #tpu.memory_space<hbm>> -> memref<80x256xf32, #tpu.memory_space<hbm>>
          tpu.enqueue_dma source(%dma_start3A_193 : memref<80x256xf32, #tpu.memory_space<hbm>>) target(%dma_start3A_191 : memref<80x256xf32, #tpu.memory_space<vmem>>) target_semaphore(%arg9 : memref<!tpu.dma_semaphore, #tpu.memory_space<semaphore_mem>>)
        } else {
        }
        %dma_wait3A_105 = arith.constant 1 : i32
        %dma_wait3A_106 = arith.constant 0 : i32
        %dma_wait3A_107 = arith.constant 0 : i32
        %dma_wait3A_108 = tpu.memref_slice %arg6[%dma_wait3A_105, %dma_wait3A_106, %dma_wait3A_107] : memref<2x80x256xf32, #tpu.memory_space<vmem>> -> memref<1x80x256xf32, #tpu.memory_space<vmem>>
        %dma_wait3A_109 = tpu.memref_squeeze %dma_wait3A_108 : memref<1x80x256xf32, #tpu.memory_space<vmem>> -> memref<80x256xf32, #tpu.memory_space<vmem>>
        %dma_wait3A_110 = arith.constant 0 : i32
        %dma_wait3A_111 = arith.constant 0 : i32
        %dma_wait3A_112 = tpu.memref_slice %arg2[%dma_wait3A_110, %dma_wait3A_111] : memref<100000x256xf32, #tpu.memory_space<hbm>> -> memref<80x256xf32, #tpu.memory_space<hbm>>
        %dma_wait3A_113 = arith.constant 0 : i32
        %dma_wait3A_114 = arith.constant 0 : i32
        %dma_wait3A_115 = tpu.memref_slice %arg6[%dma_wait3A_105, %dma_wait3A_113, %dma_wait3A_114] : memref<2x80x256xf32, #tpu.memory_space<vmem>> -> memref<1x80x256xf32, #tpu.memory_space<vmem>>
        %dma_wait3A_116 = tpu.memref_squeeze %dma_wait3A_115 : memref<1x80x256xf32, #tpu.memory_space<vmem>> -> memref<80x256xf32, #tpu.memory_space<vmem>>
        %dma_wait3A_117 = arith.constant 0 : i32
        %dma_wait3A_118 = arith.constant 0 : i32
        %dma_wait3A_119 = tpu.memref_slice %arg2[%dma_wait3A_117, %dma_wait3A_118] : memref<100000x256xf32, #tpu.memory_space<hbm>> -> memref<80x256xf32, #tpu.memory_space<hbm>>
        tpu.wait_dma2 semaphore(%arg10 : memref<!tpu.dma_semaphore, #tpu.memory_space<semaphore_mem>>) src(%dma_wait3A_119 : memref<80x256xf32, #tpu.memory_space<hbm>>) dst(%dma_wait3A_116 : memref<80x256xf32, #tpu.memory_space<vmem>>)
        %dma_wait3A_120 = arith.constant 1 : i32
        %dma_wait3A_121 = arith.constant 0 : i32
        %dma_wait3A_122 = arith.constant 0 : i32
        %dma_wait3A_123 = tpu.memref_slice %arg7[%dma_wait3A_120, %dma_wait3A_121, %dma_wait3A_122] : memref<2x80x256xf32, #tpu.memory_space<vmem>> -> memref<1x80x256xf32, #tpu.memory_space<vmem>>
        %dma_wait3A_124 = tpu.memref_squeeze %dma_wait3A_123 : memref<1x80x256xf32, #tpu.memory_space<vmem>> -> memref<80x256xf32, #tpu.memory_space<vmem>>
        %dma_wait3A_125 = arith.constant 0 : i32
        %dma_wait3A_126 = arith.constant 0 : i32
        %dma_wait3A_127 = tpu.memref_slice %arg2[%dma_wait3A_125, %dma_wait3A_126] : memref<100000x256xf32, #tpu.memory_space<hbm>> -> memref<80x256xf32, #tpu.memory_space<hbm>>
        %dma_wait3A_128 = arith.constant 0 : i32
        %dma_wait3A_129 = arith.constant 0 : i32
        %dma_wait3A_130 = tpu.memref_slice %arg7[%dma_wait3A_120, %dma_wait3A_128, %dma_wait3A_129] : memref<2x80x256xf32, #tpu.memory_space<vmem>> -> memref<1x80x256xf32, #tpu.memory_space<vmem>>
        %dma_wait3A_131 = tpu.memref_squeeze %dma_wait3A_130 : memref<1x80x256xf32, #tpu.memory_space<vmem>> -> memref<80x256xf32, #tpu.memory_space<vmem>>
        %dma_wait3A_132 = arith.constant 0 : i32
        %dma_wait3A_133 = arith.constant 0 : i32
        %dma_wait3A_134 = tpu.memref_slice %arg2[%dma_wait3A_132, %dma_wait3A_133] : memref<100000x256xf32, #tpu.memory_space<hbm>> -> memref<80x256xf32, #tpu.memory_space<hbm>>
        tpu.wait_dma2 semaphore(%arg10 : memref<!tpu.dma_semaphore, #tpu.memory_space<semaphore_mem>>) src(%dma_wait3A_134 : memref<80x256xf32, #tpu.memory_space<hbm>>) dst(%dma_wait3A_131 : memref<80x256xf32, #tpu.memory_space<vmem>>)
        %ge3A = arith.constant 2 : i32
        %ge3A_135 = arith.cmpi sge, %add3A_94, %ge3A : i32
        %convert_element_type3A_136 = arith.extui %ge3A_135 : i1 to i32
        %cond3A_137 = arith.constant 0 : i32
        %cond3A_138 = arith.cmpi ne, %convert_element_type3A_136, %cond3A_137 : i32
        scf.if %cond3A_138 {
          %dma_wait3A_163 = arith.constant 1 : i32
          %dma_wait3A_164 = arith.constant 0 : i32
          %dma_wait3A_165 = arith.constant 0 : i32
          %dma_wait3A_166 = tpu.memref_slice %arg8[%dma_wait3A_163, %dma_wait3A_164, %dma_wait3A_165] : memref<2x80x256xf32, #tpu.memory_space<vmem>> -> memref<1x80x256xf32, #tpu.memory_space<vmem>>
          %dma_wait3A_167 = tpu.memref_squeeze %dma_wait3A_166 : memref<1x80x256xf32, #tpu.memory_space<vmem>> -> memref<80x256xf32, #tpu.memory_space<vmem>>
          %dma_wait3A_168 = arith.constant 0 : i32
          %dma_wait3A_169 = arith.constant 0 : i32
          %dma_wait3A_170 = tpu.memref_slice %arg2[%dma_wait3A_168, %dma_wait3A_169] : memref<100000x256xf32, #tpu.memory_space<hbm>> -> memref<80x256xf32, #tpu.memory_space<hbm>>
          %dma_wait3A_171 = arith.constant 0 : i32
          %dma_wait3A_172 = arith.constant 0 : i32
          %dma_wait3A_173 = tpu.memref_slice %arg8[%dma_wait3A_163, %dma_wait3A_171, %dma_wait3A_172] : memref<2x80x256xf32, #tpu.memory_space<vmem>> -> memref<1x80x256xf32, #tpu.memory_space<vmem>>
          %dma_wait3A_174 = tpu.memref_squeeze %dma_wait3A_173 : memref<1x80x256xf32, #tpu.memory_space<vmem>> -> memref<80x256xf32, #tpu.memory_space<vmem>>
          %dma_wait3A_175 = arith.constant 0 : i32
          %dma_wait3A_176 = arith.constant 0 : i32
          %dma_wait3A_177 = tpu.memref_slice %arg2[%dma_wait3A_175, %dma_wait3A_176] : memref<100000x256xf32, #tpu.memory_space<hbm>> -> memref<80x256xf32, #tpu.memory_space<hbm>>
          tpu.wait_dma2 semaphore(%arg12 : memref<!tpu.dma_semaphore, #tpu.memory_space<semaphore_mem>>) src(%dma_wait3A_177 : memref<80x256xf32, #tpu.memory_space<hbm>>) dst(%dma_wait3A_174 : memref<80x256xf32, #tpu.memory_space<vmem>>)
        } else {
        }
        %scan3A_139 = arith.constant 0 : i32
        %scan3A_140 = arith.constant 0 : i32
        %scan3A_141 = arith.constant 80 : i32
        %scan3A_142 = arith.addi %scan3A_140, %scan3A_141 : i32
        %scan3A_143 = arith.constant 1 : i32
        scf.for %scan3A_163 = %scan3A_140 to %scan3A_142 step %scan3A_143  : i32 {
          %get3A = arith.constant 1 : i32
          %get3A_164 = arith.index_cast %get3A : i32 to index
          %get3A_165 = arith.index_cast %scan3A_163 : i32 to index
          %get3A_166 = arith.constant 0 : index
          %get3A_167 = tpu.vector_load %arg7[%get3A_164, %get3A_165, %get3A_166] {strides = array<i32>} : memref<2x80x256xf32, #tpu.memory_space<vmem>>, vector<1x1x16xf32>,
          %get3A_168 = vector.shape_cast %get3A_167 : vector<1x1x16xf32> to vector<16xf32>
          %mul3A_169 = arith.constant 0.699999988 : f32
          %mul3A_170 = vector.broadcast %mul3A_169 : f32 to vector<16xf32>
          %mul3A_171 = arith.mulf %get3A_168, %mul3A_170 : vector<16xf32>
          %get3A_172 = arith.constant 1 : i32
          %get3A_173 = arith.index_cast %get3A_172 : i32 to index
          %get3A_174 = arith.index_cast %scan3A_163 : i32 to index
          %get3A_175 = arith.constant 0 : index
          %get3A_176 = tpu.vector_load %arg6[%get3A_173, %get3A_174, %get3A_175] {strides = array<i32>} : memref<2x80x256xf32, #tpu.memory_space<vmem>>, vector<1x1x16xf32>,
          %get3A_177 = vector.shape_cast %get3A_176 : vector<1x1x16xf32> to vector<16xf32>
          %mul3A_178 = arith.constant 3.000000e-01 : f32
          %mul3A_179 = vector.broadcast %mul3A_178 : f32 to vector<16xf32>
          %mul3A_180 = arith.mulf %get3A_177, %mul3A_179 : vector<16xf32>
          %add3A_181 = arith.addf %mul3A_171, %mul3A_180 : vector<16xf32>
          %swap3A = arith.constant 1 : i32
          %swap3A_182 = arith.index_cast %swap3A : i32 to index
          %swap3A_183 = arith.index_cast %scan3A_163 : i32 to index
          %swap3A_184 = arith.constant 0 : index
          %swap3A_185 = tpu.vector_load %arg8[%swap3A_182, %swap3A_183, %swap3A_184] {strides = array<i32>} : memref<2x80x256xf32, #tpu.memory_space<vmem>>, vector<1x1x16xf32>,
          %swap3A_186 = vector.shape_cast %swap3A_185 : vector<1x1x16xf32> to vector<16xf32>
          %swap3A_187 = vector.shape_cast %add3A_181 : vector<16xf32> to vector<1x1x16xf32>
          tpu.vector_store %arg8[%swap3A_182, %swap3A_183, %swap3A_184], %swap3A_187 {strides = array<i32>} : memref<2x80x256xf32, #tpu.memory_space<vmem>>, vector<1x1x16xf32>,
          %get3A_188 = arith.constant 1 : i32
          %get3A_189 = arith.index_cast %get3A_188 : i32 to index
          %get3A_190 = arith.index_cast %scan3A_163 : i32 to index
          %get3A_191 = arith.constant 16 : index
          %get3A_192 = tpu.vector_load %arg7[%get3A_189, %get3A_190, %get3A_191] {strides = array<i32>} : memref<2x80x256xf32, #tpu.memory_space<vmem>>, vector<1x1x16xf32>,
          %get3A_193 = vector.shape_cast %get3A_192 : vector<1x1x16xf32> to vector<16xf32>
          %mul3A_194 = arith.constant 0.699999988 : f32
          %mul3A_195 = vector.broadcast %mul3A_194 : f32 to vector<16xf32>
          %mul3A_196 = arith.mulf %get3A_193, %mul3A_195 : vector<16xf32>
          %get3A_197 = arith.constant 1 : i32
          %get3A_198 = arith.index_cast %get3A_197 : i32 to index
          %get3A_199 = arith.index_cast %scan3A_163 : i32 to index
          %get3A_200 = arith.constant 16 : index
          %get3A_201 = tpu.vector_load %arg6[%get3A_198, %get3A_199, %get3A_200] {strides = array<i32>} : memref<2x80x256xf32, #tpu.memory_space<vmem>>, vector<1x1x16xf32>,
          %get3A_202 = vector.shape_cast %get3A_201 : vector<1x1x16xf32> to vector<16xf32>
          %mul3A_203 = arith.constant 3.000000e-01 : f32
          %mul3A_204 = vector.broadcast %mul3A_203 : f32 to vector<16xf32>
          %mul3A_205 = arith.mulf %get3A_202, %mul3A_204 : vector<16xf32>
          %add3A_206 = arith.addf %mul3A_196, %mul3A_205 : vector<16xf32>
          %swap3A_207 = arith.constant 1 : i32
          %swap3A_208 = arith.index_cast %swap3A_207 : i32 to index
          %swap3A_209 = arith.index_cast %scan3A_163 : i32 to index
          %swap3A_210 = arith.constant 16 : index
          %swap3A_211 = tpu.vector_load %arg8[%swap3A_208, %swap3A_209, %swap3A_210] {strides = array<i32>} : memref<2x80x256xf32, #tpu.memory_space<vmem>>, vector<1x1x16xf32>,
          %swap3A_212 = vector.shape_cast %swap3A_211 : vector<1x1x16xf32> to vector<16xf32>
          %swap3A_213 = vector.shape_cast %add3A_206 : vector<16xf32> to vector<1x1x16xf32>
          tpu.vector_store %arg8[%swap3A_208, %swap3A_209, %swap3A_210], %swap3A_213 {strides = array<i32>} : memref<2x80x256xf32, #tpu.memory_space<vmem>>, vector<1x1x16xf32>,
          %get3A_214 = arith.constant 1 : i32
          %get3A_215 = arith.index_cast %get3A_214 : i32 to index
          %get3A_216 = arith.index_cast %scan3A_163 : i32 to index
          %get3A_217 = arith.constant 32 : index
          %get3A_218 = tpu.vector_load %arg7[%get3A_215, %get3A_216, %get3A_217] {strides = array<i32>} : memref<2x80x256xf32, #tpu.memory_space<vmem>>, vector<1x1x16xf32>,
          %get3A_219 = vector.shape_cast %get3A_218 : vector<1x1x16xf32> to vector<16xf32>
          %mul3A_220 = arith.constant 0.699999988 : f32
          %mul3A_221 = vector.broadcast %mul3A_220 : f32 to vector<16xf32>
          %mul3A_222 = arith.mulf %get3A_219, %mul3A_221 : vector<16xf32>
          %get3A_223 = arith.constant 1 : i32
          %get3A_224 = arith.index_cast %get3A_223 : i32 to index
          %get3A_225 = arith.index_cast %scan3A_163 : i32 to index
          %get3A_226 = arith.constant 32 : index
          %get3A_227 = tpu.vector_load %arg6[%get3A_224, %get3A_225, %get3A_226] {strides = array<i32>} : memref<2x80x256xf32, #tpu.memory_space<vmem>>, vector<1x1x16xf32>,
          %get3A_228 = vector.shape_cast %get3A_227 : vector<1x1x16xf32> to vector<16xf32>
          %mul3A_229 = arith.constant 3.000000e-01 : f32
          %mul3A_230 = vector.broadcast %mul3A_229 : f32 to vector<16xf32>
          %mul3A_231 = arith.mulf %get3A_228, %mul3A_230 : vector<16xf32>
          %add3A_232 = arith.addf %mul3A_222, %mul3A_231 : vector<16xf32>
          %swap3A_233 = arith.constant 1 : i32
          %swap3A_234 = arith.index_cast %swap3A_233 : i32 to index
          %swap3A_235 = arith.index_cast %scan3A_163 : i32 to index
          %swap3A_236 = arith.constant 32 : index
          %swap3A_237 = tpu.vector_load %arg8[%swap3A_234, %swap3A_235, %swap3A_236] {strides = array<i32>} : memref<2x80x256xf32, #tpu.memory_space<vmem>>, vector<1x1x16xf32>,
          %swap3A_238 = vector.shape_cast %swap3A_237 : vector<1x1x16xf32> to vector<16xf32>
          %swap3A_239 = vector.shape_cast %add3A_232 : vector<16xf32> to vector<1x1x16xf32>
          tpu.vector_store %arg8[%swap3A_234, %swap3A_235, %swap3A_236], %swap3A_239 {strides = array<i32>} : memref<2x80x256xf32, #tpu.memory_space<vmem>>, vector<1x1x16xf32>,
          %get3A_240 = arith.constant 1 : i32
          %get3A_241 = arith.index_cast %get3A_240 : i32 to index
          %get3A_242 = arith.index_cast %scan3A_163 : i32 to index
          %get3A_243 = arith.constant 48 : index
          %get3A_244 = tpu.vector_load %arg7[%get3A_241, %get3A_242, %get3A_243] {strides = array<i32>} : memref<2x80x256xf32, #tpu.memory_space<vmem>>, vector<1x1x16xf32>,
          %get3A_245 = vector.shape_cast %get3A_244 : vector<1x1x16xf32> to vector<16xf32>
          %mul3A_246 = arith.constant 0.699999988 : f32
          %mul3A_247 = vector.broadcast %mul3A_246 : f32 to vector<16xf32>
          %mul3A_248 = arith.mulf %get3A_245, %mul3A_247 : vector<16xf32>
          %get3A_249 = arith.constant 1 : i32
          %get3A_250 = arith.index_cast %get3A_249 : i32 to index
          %get3A_251 = arith.index_cast %scan3A_163 : i32 to index
          %get3A_252 = arith.constant 48 : index
          %get3A_253 = tpu.vector_load %arg6[%get3A_250, %get3A_251, %get3A_252] {strides = array<i32>} : memref<2x80x256xf32, #tpu.memory_space<vmem>>, vector<1x1x16xf32>,
          %get3A_254 = vector.shape_cast %get3A_253 : vector<1x1x16xf32> to vector<16xf32>
          %mul3A_255 = arith.constant 3.000000e-01 : f32
          %mul3A_256 = vector.broadcast %mul3A_255 : f32 to vector<16xf32>
          %mul3A_257 = arith.mulf %get3A_254, %mul3A_256 : vector<16xf32>
          %add3A_258 = arith.addf %mul3A_248, %mul3A_257 : vector<16xf32>
          %swap3A_259 = arith.constant 1 : i32
          %swap3A_260 = arith.index_cast %swap3A_259 : i32 to index
          %swap3A_261 = arith.index_cast %scan3A_163 : i32 to index
          %swap3A_262 = arith.constant 48 : index
          %swap3A_263 = tpu.vector_load %arg8[%swap3A_260, %swap3A_261, %swap3A_262] {strides = array<i32>} : memref<2x80x256xf32, #tpu.memory_space<vmem>>, vector<1x1x16xf32>,
          %swap3A_264 = vector.shape_cast %swap3A_263 : vector<1x1x16xf32> to vector<16xf32>
          %swap3A_265 = vector.shape_cast %add3A_258 : vector<16xf32> to vector<1x1x16xf32>
          tpu.vector_store %arg8[%swap3A_260, %swap3A_261, %swap3A_262], %swap3A_265 {strides = array<i32>} : memref<2x80x256xf32, #tpu.memory_space<vmem>>, vector<1x1x16xf32>,
          %get3A_266 = arith.constant 1 : i32
          %get3A_267 = arith.index_cast %get3A_266 : i32 to index
          %get3A_268 = arith.index_cast %scan3A_163 : i32 to index
          %get3A_269 = arith.constant 64 : index
          %get3A_270 = tpu.vector_load %arg7[%get3A_267, %get3A_268, %get3A_269] {strides = array<i32>} : memref<2x80x256xf32, #tpu.memory_space<vmem>>, vector<1x1x16xf32>,
          %get3A_271 = vector.shape_cast %get3A_270 : vector<1x1x16xf32> to vector<16xf32>
          %mul3A_272 = arith.constant 0.699999988 : f32
          %mul3A_273 = vector.broadcast %mul3A_272 : f32 to vector<16xf32>
          %mul3A_274 = arith.mulf %get3A_271, %mul3A_273 : vector<16xf32>
          %get3A_275 = arith.constant 1 : i32
          %get3A_276 = arith.index_cast %get3A_275 : i32 to index
          %get3A_277 = arith.index_cast %scan3A_163 : i32 to index
          %get3A_278 = arith.constant 64 : index
          %get3A_279 = tpu.vector_load %arg6[%get3A_276, %get3A_277, %get3A_278] {strides = array<i32>} : memref<2x80x256xf32, #tpu.memory_space<vmem>>, vector<1x1x16xf32>,
          %get3A_280 = vector.shape_cast %get3A_279 : vector<1x1x16xf32> to vector<16xf32>
          %mul3A_281 = arith.constant 3.000000e-01 : f32
          %mul3A_282 = vector.broadcast %mul3A_281 : f32 to vector<16xf32>
          %mul3A_283 = arith.mulf %get3A_280, %mul3A_282 : vector<16xf32>
          %add3A_284 = arith.addf %mul3A_274, %mul3A_283 : vector<16xf32>
          %swap3A_285 = arith.constant 1 : i32
          %swap3A_286 = arith.index_cast %swap3A_285 : i32 to index
          %swap3A_287 = arith.index_cast %scan3A_163 : i32 to index
          %swap3A_288 = arith.constant 64 : index
          %swap3A_289 = tpu.vector_load %arg8[%swap3A_286, %swap3A_287, %swap3A_288] {strides = array<i32>} : memref<2x80x256xf32, #tpu.memory_space<vmem>>, vector<1x1x16xf32>,
          %swap3A_290 = vector.shape_cast %swap3A_289 : vector<1x1x16xf32> to vector<16xf32>
          %swap3A_291 = vector.shape_cast %add3A_284 : vector<16xf32> to vector<1x1x16xf32>
          tpu.vector_store %arg8[%swap3A_286, %swap3A_287, %swap3A_288], %swap3A_291 {strides = array<i32>} : memref<2x80x256xf32, #tpu.memory_space<vmem>>, vector<1x1x16xf32>,
          %get3A_292 = arith.constant 1 : i32
          %get3A_293 = arith.index_cast %get3A_292 : i32 to index
          %get3A_294 = arith.index_cast %scan3A_163 : i32 to index
          %get3A_295 = arith.constant 80 : index
          %get3A_296 = tpu.vector_load %arg7[%get3A_293, %get3A_294, %get3A_295] {strides = array<i32>} : memref<2x80x256xf32, #tpu.memory_space<vmem>>, vector<1x1x16xf32>,
          %get3A_297 = vector.shape_cast %get3A_296 : vector<1x1x16xf32> to vector<16xf32>
          %mul3A_298 = arith.constant 0.699999988 : f32
          %mul3A_299 = vector.broadcast %mul3A_298 : f32 to vector<16xf32>
          %mul3A_300 = arith.mulf %get3A_297, %mul3A_299 : vector<16xf32>
          %get3A_301 = arith.constant 1 : i32
          %get3A_302 = arith.index_cast %get3A_301 : i32 to index
          %get3A_303 = arith.index_cast %scan3A_163 : i32 to index
          %get3A_304 = arith.constant 80 : index
          %get3A_305 = tpu.vector_load %arg6[%get3A_302, %get3A_303, %get3A_304] {strides = array<i32>} : memref<2x80x256xf32, #tpu.memory_space<vmem>>, vector<1x1x16xf32>,
          %get3A_306 = vector.shape_cast %get3A_305 : vector<1x1x16xf32> to vector<16xf32>
          %mul3A_307 = arith.constant 3.000000e-01 : f32
          %mul3A_308 = vector.broadcast %mul3A_307 : f32 to vector<16xf32>
          %mul3A_309 = arith.mulf %get3A_306, %mul3A_308 : vector<16xf32>
          %add3A_310 = arith.addf %mul3A_300, %mul3A_309 : vector<16xf32>
          %swap3A_311 = arith.constant 1 : i32
          %swap3A_312 = arith.index_cast %swap3A_311 : i32 to index
          %swap3A_313 = arith.index_cast %scan3A_163 : i32 to index
          %swap3A_314 = arith.constant 80 : index
          %swap3A_315 = tpu.vector_load %arg8[%swap3A_312, %swap3A_313, %swap3A_314] {strides = array<i32>} : memref<2x80x256xf32, #tpu.memory_space<vmem>>, vector<1x1x16xf32>,
          %swap3A_316 = vector.shape_cast %swap3A_315 : vector<1x1x16xf32> to vector<16xf32>
          %swap3A_317 = vector.shape_cast %add3A_310 : vector<16xf32> to vector<1x1x16xf32>
          tpu.vector_store %arg8[%swap3A_312, %swap3A_313, %swap3A_314], %swap3A_317 {strides = array<i32>} : memref<2x80x256xf32, #tpu.memory_space<vmem>>, vector<1x1x16xf32>,
          %get3A_318 = arith.constant 1 : i32
          %get3A_319 = arith.index_cast %get3A_318 : i32 to index
          %get3A_320 = arith.index_cast %scan3A_163 : i32 to index
          %get3A_321 = arith.constant 96 : index
          %get3A_322 = tpu.vector_load %arg7[%get3A_319, %get3A_320, %get3A_321] {strides = array<i32>} : memref<2x80x256xf32, #tpu.memory_space<vmem>>, vector<1x1x16xf32>,
          %get3A_323 = vector.shape_cast %get3A_322 : vector<1x1x16xf32> to vector<16xf32>
          %mul3A_324 = arith.constant 0.699999988 : f32
          %mul3A_325 = vector.broadcast %mul3A_324 : f32 to vector<16xf32>
          %mul3A_326 = arith.mulf %get3A_323, %mul3A_325 : vector<16xf32>
          %get3A_327 = arith.constant 1 : i32
          %get3A_328 = arith.index_cast %get3A_327 : i32 to index
          %get3A_329 = arith.index_cast %scan3A_163 : i32 to index
          %get3A_330 = arith.constant 96 : index
          %get3A_331 = tpu.vector_load %arg6[%get3A_328, %get3A_329, %get3A_330] {strides = array<i32>} : memref<2x80x256xf32, #tpu.memory_space<vmem>>, vector<1x1x16xf32>,
          %get3A_332 = vector.shape_cast %get3A_331 : vector<1x1x16xf32> to vector<16xf32>
          %mul3A_333 = arith.constant 3.000000e-01 : f32
          %mul3A_334 = vector.broadcast %mul3A_333 : f32 to vector<16xf32>
          %mul3A_335 = arith.mulf %get3A_332, %mul3A_334 : vector<16xf32>
          %add3A_336 = arith.addf %mul3A_326, %mul3A_335 : vector<16xf32>
          %swap3A_337 = arith.constant 1 : i32
          %swap3A_338 = arith.index_cast %swap3A_337 : i32 to index
          %swap3A_339 = arith.index_cast %scan3A_163 : i32 to index
          %swap3A_340 = arith.constant 96 : index
          %swap3A_341 = tpu.vector_load %arg8[%swap3A_338, %swap3A_339, %swap3A_340] {strides = array<i32>} : memref<2x80x256xf32, #tpu.memory_space<vmem>>, vector<1x1x16xf32>,
          %swap3A_342 = vector.shape_cast %swap3A_341 : vector<1x1x16xf32> to vector<16xf32>
          %swap3A_343 = vector.shape_cast %add3A_336 : vector<16xf32> to vector<1x1x16xf32>
          tpu.vector_store %arg8[%swap3A_338, %swap3A_339, %swap3A_340], %swap3A_343 {strides = array<i32>} : memref<2x80x256xf32, #tpu.memory_space<vmem>>, vector<1x1x16xf32>,
          %get3A_344 = arith.constant 1 : i32
          %get3A_345 = arith.index_cast %get3A_344 : i32 to index
          %get3A_346 = arith.index_cast %scan3A_163 : i32 to index
          %get3A_347 = arith.constant 112 : index
          %get3A_348 = tpu.vector_load %arg7[%get3A_345, %get3A_346, %get3A_347] {strides = array<i32>} : memref<2x80x256xf32, #tpu.memory_space<vmem>>, vector<1x1x16xf32>,
          %get3A_349 = vector.shape_cast %get3A_348 : vector<1x1x16xf32> to vector<16xf32>
          %mul3A_350 = arith.constant 0.699999988 : f32
          %mul3A_351 = vector.broadcast %mul3A_350 : f32 to vector<16xf32>
          %mul3A_352 = arith.mulf %get3A_349, %mul3A_351 : vector<16xf32>
          %get3A_353 = arith.constant 1 : i32
          %get3A_354 = arith.index_cast %get3A_353 : i32 to index
          %get3A_355 = arith.index_cast %scan3A_163 : i32 to index
          %get3A_356 = arith.constant 112 : index
          %get3A_357 = tpu.vector_load %arg6[%get3A_354, %get3A_355, %get3A_356] {strides = array<i32>} : memref<2x80x256xf32, #tpu.memory_space<vmem>>, vector<1x1x16xf32>,
          %get3A_358 = vector.shape_cast %get3A_357 : vector<1x1x16xf32> to vector<16xf32>
          %mul3A_359 = arith.constant 3.000000e-01 : f32
          %mul3A_360 = vector.broadcast %mul3A_359 : f32 to vector<16xf32>
          %mul3A_361 = arith.mulf %get3A_358, %mul3A_360 : vector<16xf32>
          %add3A_362 = arith.addf %mul3A_352, %mul3A_361 : vector<16xf32>
          %swap3A_363 = arith.constant 1 : i32
          %swap3A_364 = arith.index_cast %swap3A_363 : i32 to index
          %swap3A_365 = arith.index_cast %scan3A_163 : i32 to index
          %swap3A_366 = arith.constant 112 : index
          %swap3A_367 = tpu.vector_load %arg8[%swap3A_364, %swap3A_365, %swap3A_366] {strides = array<i32>} : memref<2x80x256xf32, #tpu.memory_space<vmem>>, vector<1x1x16xf32>,
          %swap3A_368 = vector.shape_cast %swap3A_367 : vector<1x1x16xf32> to vector<16xf32>
          %swap3A_369 = vector.shape_cast %add3A_362 : vector<16xf32> to vector<1x1x16xf32>
          tpu.vector_store %arg8[%swap3A_364, %swap3A_365, %swap3A_366], %swap3A_369 {strides = array<i32>} : memref<2x80x256xf32, #tpu.memory_space<vmem>>, vector<1x1x16xf32>,
          %get3A_370 = arith.constant 1 : i32
          %get3A_371 = arith.index_cast %get3A_370 : i32 to index
          %get3A_372 = arith.index_cast %scan3A_163 : i32 to index
          %get3A_373 = arith.constant 128 : index
          %get3A_374 = tpu.vector_load %arg7[%get3A_371, %get3A_372, %get3A_373] {strides = array<i32>} : memref<2x80x256xf32, #tpu.memory_space<vmem>>, vector<1x1x16xf32>,
          %get3A_375 = vector.shape_cast %get3A_374 : vector<1x1x16xf32> to vector<16xf32>
          %mul3A_376 = arith.constant 0.699999988 : f32
          %mul3A_377 = vector.broadcast %mul3A_376 : f32 to vector<16xf32>
          %mul3A_378 = arith.mulf %get3A_375, %mul3A_377 : vector<16xf32>
          %get3A_379 = arith.constant 1 : i32
          %get3A_380 = arith.index_cast %get3A_379 : i32 to index
          %get3A_381 = arith.index_cast %scan3A_163 : i32 to index
          %get3A_382 = arith.constant 128 : index
          %get3A_383 = tpu.vector_load %arg6[%get3A_380, %get3A_381, %get3A_382] {strides = array<i32>} : memref<2x80x256xf32, #tpu.memory_space<vmem>>, vector<1x1x16xf32>,
          %get3A_384 = vector.shape_cast %get3A_383 : vector<1x1x16xf32> to vector<16xf32>
          %mul3A_385 = arith.constant 3.000000e-01 : f32
          %mul3A_386 = vector.broadcast %mul3A_385 : f32 to vector<16xf32>
          %mul3A_387 = arith.mulf %get3A_384, %mul3A_386 : vector<16xf32>
          %add3A_388 = arith.addf %mul3A_378, %mul3A_387 : vector<16xf32>
          %swap3A_389 = arith.constant 1 : i32
          %swap3A_390 = arith.index_cast %swap3A_389 : i32 to index
          %swap3A_391 = arith.index_cast %scan3A_163 : i32 to index
          %swap3A_392 = arith.constant 128 : index
          %swap3A_393 = tpu.vector_load %arg8[%swap3A_390, %swap3A_391, %swap3A_392] {strides = array<i32>} : memref<2x80x256xf32, #tpu.memory_space<vmem>>, vector<1x1x16xf32>,
          %swap3A_394 = vector.shape_cast %swap3A_393 : vector<1x1x16xf32> to vector<16xf32>
          %swap3A_395 = vector.shape_cast %add3A_388 : vector<16xf32> to vector<1x1x16xf32>
          tpu.vector_store %arg8[%swap3A_390, %swap3A_391, %swap3A_392], %swap3A_395 {strides = array<i32>} : memref<2x80x256xf32, #tpu.memory_space<vmem>>, vector<1x1x16xf32>,
          %get3A_396 = arith.constant 1 : i32
          %get3A_397 = arith.index_cast %get3A_396 : i32 to index
          %get3A_398 = arith.index_cast %scan3A_163 : i32 to index
          %get3A_399 = arith.constant 144 : index
          %get3A_400 = tpu.vector_load %arg7[%get3A_397, %get3A_398, %get3A_399] {strides = array<i32>} : memref<2x80x256xf32, #tpu.memory_space<vmem>>, vector<1x1x16xf32>,
          %get3A_401 = vector.shape_cast %get3A_400 : vector<1x1x16xf32> to vector<16xf32>
          %mul3A_402 = arith.constant 0.699999988 : f32
          %mul3A_403 = vector.broadcast %mul3A_402 : f32 to vector<16xf32>
          %mul3A_404 = arith.mulf %get3A_401, %mul3A_403 : vector<16xf32>
          %get3A_405 = arith.constant 1 : i32
          %get3A_406 = arith.index_cast %get3A_405 : i32 to index
          %get3A_407 = arith.index_cast %scan3A_163 : i32 to index
          %get3A_408 = arith.constant 144 : index
          %get3A_409 = tpu.vector_load %arg6[%get3A_406, %get3A_407, %get3A_408] {strides = array<i32>} : memref<2x80x256xf32, #tpu.memory_space<vmem>>, vector<1x1x16xf32>,
          %get3A_410 = vector.shape_cast %get3A_409 : vector<1x1x16xf32> to vector<16xf32>
          %mul3A_411 = arith.constant 3.000000e-01 : f32
          %mul3A_412 = vector.broadcast %mul3A_411 : f32 to vector<16xf32>
          %mul3A_413 = arith.mulf %get3A_410, %mul3A_412 : vector<16xf32>
          %add3A_414 = arith.addf %mul3A_404, %mul3A_413 : vector<16xf32>
          %swap3A_415 = arith.constant 1 : i32
          %swap3A_416 = arith.index_cast %swap3A_415 : i32 to index
          %swap3A_417 = arith.index_cast %scan3A_163 : i32 to index
          %swap3A_418 = arith.constant 144 : index
          %swap3A_419 = tpu.vector_load %arg8[%swap3A_416, %swap3A_417, %swap3A_418] {strides = array<i32>} : memref<2x80x256xf32, #tpu.memory_space<vmem>>, vector<1x1x16xf32>,
          %swap3A_420 = vector.shape_cast %swap3A_419 : vector<1x1x16xf32> to vector<16xf32>
          %swap3A_421 = vector.shape_cast %add3A_414 : vector<16xf32> to vector<1x1x16xf32>
          tpu.vector_store %arg8[%swap3A_416, %swap3A_417, %swap3A_418], %swap3A_421 {strides = array<i32>} : memref<2x80x256xf32, #tpu.memory_space<vmem>>, vector<1x1x16xf32>,
          %get3A_422 = arith.constant 1 : i32
          %get3A_423 = arith.index_cast %get3A_422 : i32 to index
          %get3A_424 = arith.index_cast %scan3A_163 : i32 to index
          %get3A_425 = arith.constant 160 : index
          %get3A_426 = tpu.vector_load %arg7[%get3A_423, %get3A_424, %get3A_425] {strides = array<i32>} : memref<2x80x256xf32, #tpu.memory_space<vmem>>, vector<1x1x16xf32>,
          %get3A_427 = vector.shape_cast %get3A_426 : vector<1x1x16xf32> to vector<16xf32>
          %mul3A_428 = arith.constant 0.699999988 : f32
          %mul3A_429 = vector.broadcast %mul3A_428 : f32 to vector<16xf32>
          %mul3A_430 = arith.mulf %get3A_427, %mul3A_429 : vector<16xf32>
          %get3A_431 = arith.constant 1 : i32
          %get3A_432 = arith.index_cast %get3A_431 : i32 to index
          %get3A_433 = arith.index_cast %scan3A_163 : i32 to index
          %get3A_434 = arith.constant 160 : index
          %get3A_435 = tpu.vector_load %arg6[%get3A_432, %get3A_433, %get3A_434] {strides = array<i32>} : memref<2x80x256xf32, #tpu.memory_space<vmem>>, vector<1x1x16xf32>,
          %get3A_436 = vector.shape_cast %get3A_435 : vector<1x1x16xf32> to vector<16xf32>
          %mul3A_437 = arith.constant 3.000000e-01 : f32
          %mul3A_438 = vector.broadcast %mul3A_437 : f32 to vector<16xf32>
          %mul3A_439 = arith.mulf %get3A_436, %mul3A_438 : vector<16xf32>
          %add3A_440 = arith.addf %mul3A_430, %mul3A_439 : vector<16xf32>
          %swap3A_441 = arith.constant 1 : i32
          %swap3A_442 = arith.index_cast %swap3A_441 : i32 to index
          %swap3A_443 = arith.index_cast %scan3A_163 : i32 to index
          %swap3A_444 = arith.constant 160 : index
          %swap3A_445 = tpu.vector_load %arg8[%swap3A_442, %swap3A_443, %swap3A_444] {strides = array<i32>} : memref<2x80x256xf32, #tpu.memory_space<vmem>>, vector<1x1x16xf32>,
          %swap3A_446 = vector.shape_cast %swap3A_445 : vector<1x1x16xf32> to vector<16xf32>
          %swap3A_447 = vector.shape_cast %add3A_440 : vector<16xf32> to vector<1x1x16xf32>
          tpu.vector_store %arg8[%swap3A_442, %swap3A_443, %swap3A_444], %swap3A_447 {strides = array<i32>} : memref<2x80x256xf32, #tpu.memory_space<vmem>>, vector<1x1x16xf32>,
          %get3A_448 = arith.constant 1 : i32
          %get3A_449 = arith.index_cast %get3A_448 : i32 to index
          %get3A_450 = arith.index_cast %scan3A_163 : i32 to index
          %get3A_451 = arith.constant 176 : index
          %get3A_452 = tpu.vector_load %arg7[%get3A_449, %get3A_450, %get3A_451] {strides = array<i32>} : memref<2x80x256xf32, #tpu.memory_space<vmem>>, vector<1x1x16xf32>,
          %get3A_453 = vector.shape_cast %get3A_452 : vector<1x1x16xf32> to vector<16xf32>
          %mul3A_454 = arith.constant 0.699999988 : f32
          %mul3A_455 = vector.broadcast %mul3A_454 : f32 to vector<16xf32>
          %mul3A_456 = arith.mulf %get3A_453, %mul3A_455 : vector<16xf32>
          %get3A_457 = arith.constant 1 : i32
          %get3A_458 = arith.index_cast %get3A_457 : i32 to index
          %get3A_459 = arith.index_cast %scan3A_163 : i32 to index
          %get3A_460 = arith.constant 176 : index
          %get3A_461 = tpu.vector_load %arg6[%get3A_458, %get3A_459, %get3A_460] {strides = array<i32>} : memref<2x80x256xf32, #tpu.memory_space<vmem>>, vector<1x1x16xf32>,
          %get3A_462 = vector.shape_cast %get3A_461 : vector<1x1x16xf32> to vector<16xf32>
          %mul3A_463 = arith.constant 3.000000e-01 : f32
          %mul3A_464 = vector.broadcast %mul3A_463 : f32 to vector<16xf32>
          %mul3A_465 = arith.mulf %get3A_462, %mul3A_464 : vector<16xf32>
          %add3A_466 = arith.addf %mul3A_456, %mul3A_465 : vector<16xf32>
          %swap3A_467 = arith.constant 1 : i32
          %swap3A_468 = arith.index_cast %swap3A_467 : i32 to index
          %swap3A_469 = arith.index_cast %scan3A_163 : i32 to index
          %swap3A_470 = arith.constant 176 : index
          %swap3A_471 = tpu.vector_load %arg8[%swap3A_468, %swap3A_469, %swap3A_470] {strides = array<i32>} : memref<2x80x256xf32, #tpu.memory_space<vmem>>, vector<1x1x16xf32>,
          %swap3A_472 = vector.shape_cast %swap3A_471 : vector<1x1x16xf32> to vector<16xf32>
          %swap3A_473 = vector.shape_cast %add3A_466 : vector<16xf32> to vector<1x1x16xf32>
          tpu.vector_store %arg8[%swap3A_468, %swap3A_469, %swap3A_470], %swap3A_473 {strides = array<i32>} : memref<2x80x256xf32, #tpu.memory_space<vmem>>, vector<1x1x16xf32>,
          %get3A_474 = arith.constant 1 : i32
          %get3A_475 = arith.index_cast %get3A_474 : i32 to index
          %get3A_476 = arith.index_cast %scan3A_163 : i32 to index
          %get3A_477 = arith.constant 192 : index
          %get3A_478 = tpu.vector_load %arg7[%get3A_475, %get3A_476, %get3A_477] {strides = array<i32>} : memref<2x80x256xf32, #tpu.memory_space<vmem>>, vector<1x1x16xf32>,
          %get3A_479 = vector.shape_cast %get3A_478 : vector<1x1x16xf32> to vector<16xf32>
          %mul3A_480 = arith.constant 0.699999988 : f32
          %mul3A_481 = vector.broadcast %mul3A_480 : f32 to vector<16xf32>
          %mul3A_482 = arith.mulf %get3A_479, %mul3A_481 : vector<16xf32>
          %get3A_483 = arith.constant 1 : i32
          %get3A_484 = arith.index_cast %get3A_483 : i32 to index
          %get3A_485 = arith.index_cast %scan3A_163 : i32 to index
          %get3A_486 = arith.constant 192 : index
          %get3A_487 = tpu.vector_load %arg6[%get3A_484, %get3A_485, %get3A_486] {strides = array<i32>} : memref<2x80x256xf32, #tpu.memory_space<vmem>>, vector<1x1x16xf32>,
          %get3A_488 = vector.shape_cast %get3A_487 : vector<1x1x16xf32> to vector<16xf32>
          %mul3A_489 = arith.constant 3.000000e-01 : f32
          %mul3A_490 = vector.broadcast %mul3A_489 : f32 to vector<16xf32>
          %mul3A_491 = arith.mulf %get3A_488, %mul3A_490 : vector<16xf32>
          %add3A_492 = arith.addf %mul3A_482, %mul3A_491 : vector<16xf32>
          %swap3A_493 = arith.constant 1 : i32
          %swap3A_494 = arith.index_cast %swap3A_493 : i32 to index
          %swap3A_495 = arith.index_cast %scan3A_163 : i32 to index
          %swap3A_496 = arith.constant 192 : index
          %swap3A_497 = tpu.vector_load %arg8[%swap3A_494, %swap3A_495, %swap3A_496] {strides = array<i32>} : memref<2x80x256xf32, #tpu.memory_space<vmem>>, vector<1x1x16xf32>,
          %swap3A_498 = vector.shape_cast %swap3A_497 : vector<1x1x16xf32> to vector<16xf32>
          %swap3A_499 = vector.shape_cast %add3A_492 : vector<16xf32> to vector<1x1x16xf32>
          tpu.vector_store %arg8[%swap3A_494, %swap3A_495, %swap3A_496], %swap3A_499 {strides = array<i32>} : memref<2x80x256xf32, #tpu.memory_space<vmem>>, vector<1x1x16xf32>,
          %get3A_500 = arith.constant 1 : i32
          %get3A_501 = arith.index_cast %get3A_500 : i32 to index
          %get3A_502 = arith.index_cast %scan3A_163 : i32 to index
          %get3A_503 = arith.constant 208 : index
          %get3A_504 = tpu.vector_load %arg7[%get3A_501, %get3A_502, %get3A_503] {strides = array<i32>} : memref<2x80x256xf32, #tpu.memory_space<vmem>>, vector<1x1x16xf32>,
          %get3A_505 = vector.shape_cast %get3A_504 : vector<1x1x16xf32> to vector<16xf32>
          %mul3A_506 = arith.constant 0.699999988 : f32
          %mul3A_507 = vector.broadcast %mul3A_506 : f32 to vector<16xf32>
          %mul3A_508 = arith.mulf %get3A_505, %mul3A_507 : vector<16xf32>
          %get3A_509 = arith.constant 1 : i32
          %get3A_510 = arith.index_cast %get3A_509 : i32 to index
          %get3A_511 = arith.index_cast %scan3A_163 : i32 to index
          %get3A_512 = arith.constant 208 : index
          %get3A_513 = tpu.vector_load %arg6[%get3A_510, %get3A_511, %get3A_512] {strides = array<i32>} : memref<2x80x256xf32, #tpu.memory_space<vmem>>, vector<1x1x16xf32>,
          %get3A_514 = vector.shape_cast %get3A_513 : vector<1x1x16xf32> to vector<16xf32>
          %mul3A_515 = arith.constant 3.000000e-01 : f32
          %mul3A_516 = vector.broadcast %mul3A_515 : f32 to vector<16xf32>
          %mul3A_517 = arith.mulf %get3A_514, %mul3A_516 : vector<16xf32>
          %add3A_518 = arith.addf %mul3A_508, %mul3A_517 : vector<16xf32>
          %swap3A_519 = arith.constant 1 : i32
          %swap3A_520 = arith.index_cast %swap3A_519 : i32 to index
          %swap3A_521 = arith.index_cast %scan3A_163 : i32 to index
          %swap3A_522 = arith.constant 208 : index
          %swap3A_523 = tpu.vector_load %arg8[%swap3A_520, %swap3A_521, %swap3A_522] {strides = array<i32>} : memref<2x80x256xf32, #tpu.memory_space<vmem>>, vector<1x1x16xf32>,
          %swap3A_524 = vector.shape_cast %swap3A_523 : vector<1x1x16xf32> to vector<16xf32>
          %swap3A_525 = vector.shape_cast %add3A_518 : vector<16xf32> to vector<1x1x16xf32>
          tpu.vector_store %arg8[%swap3A_520, %swap3A_521, %swap3A_522], %swap3A_525 {strides = array<i32>} : memref<2x80x256xf32, #tpu.memory_space<vmem>>, vector<1x1x16xf32>,
          %get3A_526 = arith.constant 1 : i32
          %get3A_527 = arith.index_cast %get3A_526 : i32 to index
          %get3A_528 = arith.index_cast %scan3A_163 : i32 to index
          %get3A_529 = arith.constant 224 : index
          %get3A_530 = tpu.vector_load %arg7[%get3A_527, %get3A_528, %get3A_529] {strides = array<i32>} : memref<2x80x256xf32, #tpu.memory_space<vmem>>, vector<1x1x16xf32>,
          %get3A_531 = vector.shape_cast %get3A_530 : vector<1x1x16xf32> to vector<16xf32>
          %mul3A_532 = arith.constant 0.699999988 : f32
          %mul3A_533 = vector.broadcast %mul3A_532 : f32 to vector<16xf32>
          %mul3A_534 = arith.mulf %get3A_531, %mul3A_533 : vector<16xf32>
          %get3A_535 = arith.constant 1 : i32
          %get3A_536 = arith.index_cast %get3A_535 : i32 to index
          %get3A_537 = arith.index_cast %scan3A_163 : i32 to index
          %get3A_538 = arith.constant 224 : index
          %get3A_539 = tpu.vector_load %arg6[%get3A_536, %get3A_537, %get3A_538] {strides = array<i32>} : memref<2x80x256xf32, #tpu.memory_space<vmem>>, vector<1x1x16xf32>,
          %get3A_540 = vector.shape_cast %get3A_539 : vector<1x1x16xf32> to vector<16xf32>
          %mul3A_541 = arith.constant 3.000000e-01 : f32
          %mul3A_542 = vector.broadcast %mul3A_541 : f32 to vector<16xf32>
          %mul3A_543 = arith.mulf %get3A_540, %mul3A_542 : vector<16xf32>
          %add3A_544 = arith.addf %mul3A_534, %mul3A_543 : vector<16xf32>
          %swap3A_545 = arith.constant 1 : i32
          %swap3A_546 = arith.index_cast %swap3A_545 : i32 to index
          %swap3A_547 = arith.index_cast %scan3A_163 : i32 to index
          %swap3A_548 = arith.constant 224 : index
          %swap3A_549 = tpu.vector_load %arg8[%swap3A_546, %swap3A_547, %swap3A_548] {strides = array<i32>} : memref<2x80x256xf32, #tpu.memory_space<vmem>>, vector<1x1x16xf32>,
          %swap3A_550 = vector.shape_cast %swap3A_549 : vector<1x1x16xf32> to vector<16xf32>
          %swap3A_551 = vector.shape_cast %add3A_544 : vector<16xf32> to vector<1x1x16xf32>
          tpu.vector_store %arg8[%swap3A_546, %swap3A_547, %swap3A_548], %swap3A_551 {strides = array<i32>} : memref<2x80x256xf32, #tpu.memory_space<vmem>>, vector<1x1x16xf32>,
          %get3A_552 = arith.constant 1 : i32
          %get3A_553 = arith.index_cast %get3A_552 : i32 to index
          %get3A_554 = arith.index_cast %scan3A_163 : i32 to index
          %get3A_555 = arith.constant 240 : index
          %get3A_556 = tpu.vector_load %arg7[%get3A_553, %get3A_554, %get3A_555] {strides = array<i32>} : memref<2x80x256xf32, #tpu.memory_space<vmem>>, vector<1x1x16xf32>,
          %get3A_557 = vector.shape_cast %get3A_556 : vector<1x1x16xf32> to vector<16xf32>
          %mul3A_558 = arith.constant 0.699999988 : f32
          %mul3A_559 = vector.broadcast %mul3A_558 : f32 to vector<16xf32>
          %mul3A_560 = arith.mulf %get3A_557, %mul3A_559 : vector<16xf32>
          %get3A_561 = arith.constant 1 : i32
          %get3A_562 = arith.index_cast %get3A_561 : i32 to index
          %get3A_563 = arith.index_cast %scan3A_163 : i32 to index
          %get3A_564 = arith.constant 240 : index
          %get3A_565 = tpu.vector_load %arg6[%get3A_562, %get3A_563, %get3A_564] {strides = array<i32>} : memref<2x80x256xf32, #tpu.memory_space<vmem>>, vector<1x1x16xf32>,
          %get3A_566 = vector.shape_cast %get3A_565 : vector<1x1x16xf32> to vector<16xf32>
          %mul3A_567 = arith.constant 3.000000e-01 : f32
          %mul3A_568 = vector.broadcast %mul3A_567 : f32 to vector<16xf32>
          %mul3A_569 = arith.mulf %get3A_566, %mul3A_568 : vector<16xf32>
          %add3A_570 = arith.addf %mul3A_560, %mul3A_569 : vector<16xf32>
          %swap3A_571 = arith.constant 1 : i32
          %swap3A_572 = arith.index_cast %swap3A_571 : i32 to index
          %swap3A_573 = arith.index_cast %scan3A_163 : i32 to index
          %swap3A_574 = arith.constant 240 : index
          %swap3A_575 = tpu.vector_load %arg8[%swap3A_572, %swap3A_573, %swap3A_574] {strides = array<i32>} : memref<2x80x256xf32, #tpu.memory_space<vmem>>, vector<1x1x16xf32>,
          %swap3A_576 = vector.shape_cast %swap3A_575 : vector<1x1x16xf32> to vector<16xf32>
          %swap3A_577 = vector.shape_cast %add3A_570 : vector<16xf32> to vector<1x1x16xf32>
          tpu.vector_store %arg8[%swap3A_572, %swap3A_573, %swap3A_574], %swap3A_577 {strides = array<i32>} : memref<2x80x256xf32, #tpu.memory_space<vmem>>, vector<1x1x16xf32>,
        }
        %scan3A_144 = arith.constant 80 : i32
        %mul3A_145 = arith.constant 32 : i32
        %mul3A_146 = arith.muli %add3A_94, %mul3A_145 : i32
        %add3A_147 = arith.addi %add3A, %mul3A_146 : i32
        %mul3A_148 = arith.constant 80 : i32
        %mul3A_149 = arith.muli %add3A_147, %mul3A_148 : i32
        %dma_start3A_150 = arith.constant 1 : i32
        %dma_start3A_151 = arith.constant 0 : i32
        %dma_start3A_152 = arith.constant 0 : i32
        %dma_start3A_153 = tpu.memref_slice %arg8[%dma_start3A_150, %dma_start3A_151, %dma_start3A_152] : memref<2x80x256xf32, #tpu.memory_space<vmem>> -> memref<1x80x256xf32, #tpu.memory_space<vmem>>
        %dma_start3A_154 = tpu.memref_squeeze %dma_start3A_153 : memref<1x80x256xf32, #tpu.memory_space<vmem>> -> memref<80x256xf32, #tpu.memory_space<vmem>>
        %dma_start3A_155 = arith.constant 0 : i32
        %dma_start3A_156 = tpu.memref_slice %arg4[%mul3A_149, %dma_start3A_155] : memref<100000x256xf32, #tpu.memory_space<hbm>> -> memref<80x256xf32, #tpu.memory_space<hbm>>
        %dma_start3A_157 = arith.constant 0 : i32
        %dma_start3A_158 = tpu.memref_slice %arg4[%mul3A_149, %dma_start3A_157] : memref<100000x256xf32, #tpu.memory_space<hbm>> -> memref<80x256xf32, #tpu.memory_space<hbm>>
        %dma_start3A_159 = arith.constant 0 : i32
        %dma_start3A_160 = arith.constant 0 : i32
        %dma_start3A_161 = tpu.memref_slice %arg8[%dma_start3A_150, %dma_start3A_159, %dma_start3A_160] : memref<2x80x256xf32, #tpu.memory_space<vmem>> -> memref<1x80x256xf32, #tpu.memory_space<vmem>>
        %dma_start3A_162 = tpu.memref_squeeze %dma_start3A_161 : memref<1x80x256xf32, #tpu.memory_space<vmem>> -> memref<80x256xf32, #tpu.memory_space<vmem>>
        tpu.enqueue_dma source(%dma_start3A_162 : memref<80x256xf32, #tpu.memory_space<vmem>>) target(%dma_start3A_158 : memref<80x256xf32, #tpu.memory_space<hbm>>) target_semaphore(%arg12 : memref<!tpu.dma_semaphore, #tpu.memory_space<semaphore_mem>>)
      } else {
      }
    }
    %scan3A_54 = arith.constant 20 : i32
    %dma_wait3A = arith.constant 0 : i32
    %dma_wait3A_55 = arith.constant 0 : i32
    %dma_wait3A_56 = arith.constant 0 : i32
    %dma_wait3A_57 = tpu.memref_slice %arg8[%dma_wait3A, %dma_wait3A_55, %dma_wait3A_56] : memref<2x80x256xf32, #tpu.memory_space<vmem>> -> memref<1x80x256xf32, #tpu.memory_space<vmem>>
    %dma_wait3A_58 = tpu.memref_squeeze %dma_wait3A_57 : memref<1x80x256xf32, #tpu.memory_space<vmem>> -> memref<80x256xf32, #tpu.memory_space<vmem>>
    %dma_wait3A_59 = arith.constant 0 : i32
    %dma_wait3A_60 = arith.constant 0 : i32
    %dma_wait3A_61 = tpu.memref_slice %arg2[%dma_wait3A_59, %dma_wait3A_60] : memref<100000x256xf32, #tpu.memory_space<hbm>> -> memref<80x256xf32, #tpu.memory_space<hbm>>
    %dma_wait3A_62 = arith.constant 0 : i32
    %dma_wait3A_63 = arith.constant 0 : i32
    %dma_wait3A_64 = tpu.memref_slice %arg8[%dma_wait3A, %dma_wait3A_62, %dma_wait3A_63] : memref<2x80x256xf32, #tpu.memory_space<vmem>> -> memref<1x80x256xf32, #tpu.memory_space<vmem>>
    %dma_wait3A_65 = tpu.memref_squeeze %dma_wait3A_64 : memref<1x80x256xf32, #tpu.memory_space<vmem>> -> memref<80x256xf32, #tpu.memory_space<vmem>>
    %dma_wait3A_66 = arith.constant 0 : i32
    %dma_wait3A_67 = arith.constant 0 : i32
    %dma_wait3A_68 = tpu.memref_slice %arg2[%dma_wait3A_66, %dma_wait3A_67] : memref<100000x256xf32, #tpu.memory_space<hbm>> -> memref<80x256xf32, #tpu.memory_space<hbm>>
    tpu.wait_dma2 semaphore(%arg11 : memref<!tpu.dma_semaphore, #tpu.memory_space<semaphore_mem>>) src(%dma_wait3A_68 : memref<80x256xf32, #tpu.memory_space<hbm>>) dst(%dma_wait3A_65 : memref<80x256xf32, #tpu.memory_space<vmem>>)
    %dma_wait3A_69 = arith.constant 1 : i32
    %dma_wait3A_70 = arith.constant 0 : i32
    %dma_wait3A_71 = arith.constant 0 : i32
    %dma_wait3A_72 = tpu.memref_slice %arg8[%dma_wait3A_69, %dma_wait3A_70, %dma_wait3A_71] : memref<2x80x256xf32, #tpu.memory_space<vmem>> -> memref<1x80x256xf32, #tpu.memory_space<vmem>>
    %dma_wait3A_73 = tpu.memref_squeeze %dma_wait3A_72 : memref<1x80x256xf32, #tpu.memory_space<vmem>> -> memref<80x256xf32, #tpu.memory_space<vmem>>
    %dma_wait3A_74 = arith.constant 0 : i32
    %dma_wait3A_75 = arith.constant 0 : i32
    %dma_wait3A_76 = tpu.memref_slice %arg2[%dma_wait3A_74, %dma_wait3A_75] : memref<100000x256xf32, #tpu.memory_space<hbm>> -> memref<80x256xf32, #tpu.memory_space<hbm>>
    %dma_wait3A_77 = arith.constant 0 : i32
    %dma_wait3A_78 = arith.constant 0 : i32
    %dma_wait3A_79 = tpu.memref_slice %arg8[%dma_wait3A_69, %dma_wait3A_77, %dma_wait3A_78] : memref<2x80x256xf32, #tpu.memory_space<vmem>> -> memref<1x80x256xf32, #tpu.memory_space<vmem>>
    %dma_wait3A_80 = tpu.memref_squeeze %dma_wait3A_79 : memref<1x80x256xf32, #tpu.memory_space<vmem>> -> memref<80x256xf32, #tpu.memory_space<vmem>>
    %dma_wait3A_81 = arith.constant 0 : i32
    %dma_wait3A_82 = arith.constant 0 : i32
    %dma_wait3A_83 = tpu.memref_slice %arg2[%dma_wait3A_81, %dma_wait3A_82] : memref<100000x256xf32, #tpu.memory_space<hbm>> -> memref<80x256xf32, #tpu.memory_space<hbm>>
    tpu.wait_dma2 semaphore(%arg12 : memref<!tpu.dma_semaphore, #tpu.memory_space<semaphore_mem>>) src(%dma_wait3A_83 : memref<80x256xf32, #tpu.memory_space<hbm>>) dst(%dma_wait3A_80 : memref<80x256xf32, #tpu.memory_space<vmem>>)
    return
  }
}

</mosaic_0001>

<sc_bundles>
// kernel: _mix.3.cloned.1.call-start
scs
__scs_entry_jumppad:
0x0: {  	(pc) =	sbr.rel $0x88, $3  }
0x1: {  	(tag) =	ssettag $0x0;
	lr =	simm.s32 $0x1  }
0x2: {  	[smem:$0x3F9F] =	sst lr;
	_ =	strace $0xD0000000  }
0x3: {  	_ = 	snop  }
0x4: {  	_ = 	snop  }
0x5: {  	_ = 	snop  }
0x6: {  	_ = 	snop  }
0x7: {  	_ = 	snop  }
__scs_overlays_trampoline_lowered:
0x8: {  	[smem:$0x3FAE] =	sst s0  }
0x9: {  	[smem:$0x3FAF] =	sst s1  }
0xa: {  	[smem:$0x3FB0] =	sst s2  }
0xb: {  	[smem:$0x3FB1] =	sst s3  }
0xc: {  	[smem:$0x3FB2] =	sst s4  }
0xd: {  	[smem:$0x3FB3] =	sst s5  }
0xe: {  	[smem:$0x3FB4] =	sst s6  }
0xf: {  	[smem:$0x3FB5] =	sst s7  }
0x10: {  	[smem:$0x3FB6] =	sst s8  }
0x11: {  	[smem:$0x3FB7] =	sst s9;
	s0 =	simm.s32 @!p0 $0x0  }
0x12: {  	s1 =	sld [smem:$0x3F9D];
	s0 =	simm.s32 @p0 $0x1  }
0x13: {  	[smem:$0x3FB8] =	sst s0;
	s0 =	simm.s32 @!p1 $0x0  }
0x14: {  	s2 =	sld [smem:$0x3F9C];
	s0 =	simm.s32 @p1 $0x1  }
0x15: {  	[smem:$0x3FB9] =	sst s0;
	s0 =	simm.s32 @!p2 $0x0  }
0x16: {  	s3 =	sld [smem:$0x3FDB];
	s0 =	simm.s32 @p2 $0x1  }
0x17: {  	s4 =	simm.s32 $0x1BF5;
	[smem:$0x3FBB] =	sst s0  }
0x18: {  	s0 =	sld [smem:$0x3F9E];
	_ =	swait.ge [sflag:s4], $0x0  }
0x19: {  	s7 =	sld [smem:$0x3F9F]  }
0x1a: {  	s8 =	sadd.s32 $0xFFFFE003, lr  }
0x1b: {  	s9 =	sadd.s32 $0xFFFFFEF7, lr;
	s5 =	simm.s32 $0xFFFFFFFF;
	p2 =	slt.u32 s8, $0xFFFFF086  }
0x1c: {  	p1 =	slt.u32 s9, $0xF7A;
	s5 =	simm.s32 @!p2 $0x0  }
0x1d: {  	s5 =	simm.s32 @p1 $0x1;
	p0 =	seq.s32 s7, s2  }
0x1e: {  	s7 =	smul.u32 @!p0 $0xF7A, s2;
	p2 =	seq.s32 @!p0 s5, $0x0  }
0x1f: {  	s9 =	smul.u32 $0xF7A, s1;
	s8 =	simm.s32 @!p0 $0x1BF5;
	p2 =	por !p2, p0  }
0x20: {  	[sflag:s8] =	ssyncset.s32 @!p0 $0xFFFFF086;
	s6 =	sadd.s32 @!p0 s3, s7;
	s7 =	simm.s32 @!p0 $0x108  }
0x21: {  	s3 =	sadd.s32 s3, s9;
	s6 =	sadd.s32 @!p0 $0x88, s6;
	s7 =	simm.s32 @p2 $0x1082  }
0x22: {  	[simem:s7], [sflag:s8] =	dma.local @!p0 [hbm:s6], $0xF7A  }
0x23: {  	s9 =	sor.u32 $0xD0000000, s2;
	s6 =	simm.s32 $0x108;
	_ =	swait.ge @!p0 [sflag:s8], $0x0  }
0x24: {  	s3 =	sadd.s32 $0x88, s3;
	s6 =	simm.s32 @!p1 $0x1082;
	[sflag:s4] =	ssyncset.s32 $0xFFFFF086  }
0x25: {  	[simem:s6], [sflag:s4] =	dma.local [hbm:s3], $0xF7A  }
0x26: {  	[smem:$0x3F9F] =	sst s1;
	(tag) =	ssettag s2;
	_ =	strace s9  }
0x27: {  	s1 =	sld [smem:$0x3FAF]  }
0x28: {  	s2 =	sld [smem:$0x3FB0]  }
0x29: {  	s4 =	sld [smem:$0x3FB2]  }
0x2a: {  	p0 =	seq.s32 s5, $0x0;
	s5 =	sld [smem:$0x3FB3]  }
0x2b: {  	s6 =	sld [smem:$0x3FB4]  }
0x2c: {  	s7 =	sld [smem:$0x3FB5]  }
0x2d: {  	s3 =	simm.s32 $0x108;
	s8 =	sld [smem:$0x3FB6]  }
0x2e: {  	s3 =	simm.s32 @!p0 $0x1082;
	s9 =	sld [smem:$0x3FB7]  }
0x2f: {  	lr =	sadd.s32 s0, s3;
	s0 =	sld [smem:$0x3FAE]  }
0x30: {  	s3 =	sld [smem:$0x3FB1]  }
0x31: {  	[smem:$0x3FBA] =	sst s10  }
0x32: {  	s10 =	sld [smem:$0x3FB8];
	_ =	sdelay $0x3  }
0x33: {  	p0 =	seq.s32 s10, $0x1;
	s10 =	sld [smem:$0x3FBA];
	_ =	sdelay $0x3  }
0x34: {  	[smem:$0x3FBA] =	sst s10  }
0x35: {  	s10 =	sld [smem:$0x3FB9];
	_ =	sdelay $0x3  }
0x36: {  	p1 =	seq.s32 s10, $0x1;
	s10 =	sld [smem:$0x3FBA];
	_ =	sdelay $0x3  }
0x37: {  	[smem:$0x3FBA] =	sst s10  }
0x38: {  	s10 =	sld [smem:$0x3FBB]  }
0x39: {  	_ = 	snop;
	(pc) =	sbr.ind lr, $3  }
0x3a: {  	_ = 	snop  }
0x3b: {  	_ = 	snop  }
0x3c: {  	p2 =	seq.s32 s10, $0x1;
	s10 =	sld [smem:$0x3FBA]  }
0x3d: {  	_ =	shalt  }
0x3e: {  	_ =	shalt  }
0x3f: {  	_ =	shalt  }
0x40: {  	_ =	shalt  }
0x41: {  	_ =	shalt  }
0x42: {  	_ =	shalt  }
0x43: {  	_ =	shalt  }
0x44: {  	_ =	shalt  }
0x45: {  	_ =	shalt  }
0x46: {  	_ =	shalt  }
0x47: {  	_ =	shalt  }
0x48: {  	_ =	shalt  }
0x49: {  	_ =	shalt  }
0x4a: {  	_ =	shalt  }
0x4b: {  	_ =	shalt  }
0x4c: {  	_ =	shalt  }
0x4d: {  	_ =	shalt  }
0x4e: {  	_ =	shalt  }
0x4f: {  	_ =	shalt  }
0x50: {  	_ =	shalt  }
0x51: {  	_ =	shalt  }
0x52: {  	_ =	shalt  }
0x53: {  	_ =	shalt  }
0x54: {  	_ =	shalt  }
0x55: {  	_ =	shalt  }
0x56: {  	_ =	shalt  }
0x57: {  	_ =	shalt  }
0x58: {  	_ =	shalt  }
0x59: {  	_ =	shalt  }
0x5a: {  	_ =	shalt  }
0x5b: {  	_ =	shalt  }
0x5c: {  	_ =	shalt  }
0x5d: {  	_ =	shalt  }
0x5e: {  	_ =	shalt  }
0x5f: {  	_ =	shalt  }
0x60: {  	_ =	shalt  }
0x61: {  	_ =	shalt  }
0x62: {  	_ =	shalt  }
0x63: {  	_ =	shalt  }
0x64: {  	_ =	shalt  }
0x65: {  	_ =	shalt  }
0x66: {  	_ =	shalt  }
0x67: {  	_ =	shalt  }
0x68: {  	_ =	shalt  }
0x69: {  	_ =	shalt  }
0x6a: {  	_ =	shalt  }
0x6b: {  	_ =	shalt  }
0x6c: {  	_ =	shalt  }
0x6d: {  	_ =	shalt  }
0x6e: {  	_ =	shalt  }
0x6f: {  	_ =	shalt  }
0x70: {  	_ =	shalt  }
0x71: {  	_ =	shalt  }
0x72: {  	_ =	shalt  }
0x73: {  	_ =	shalt  }
0x74: {  	_ =	shalt  }
0x75: {  	_ =	shalt  }
0x76: {  	_ =	shalt  }
0x77: {  	_ =	shalt  }
0x78: {  	_ =	shalt  }
0x79: {  	_ =	shalt  }
0x7a: {  	_ =	shalt  }
0x7b: {  	_ =	shalt  }
0x7c: {  	_ =	shalt  }
0x7d: {  	_ =	shalt  }
0x7e: {  	_ =	shalt  }
0x7f: {  	_ =	shalt  }
0x80: {  	_ =	shalt  }
0x81: {  	_ =	shalt  }
0x82: {  	_ =	shalt  }
0x83: {  	_ =	shalt  }
0x84: {  	_ =	shalt  }
0x85: {  	_ =	shalt  }
0x86: {  	_ =	shalt  }
0x87: {  	_ =	shalt  }
.Lfunc_end0:
.L_simem_size_0:
called_computation_lowered:
.L_overlay_start_0:
0x88: {  	s2 =	sld [smem:$0x3FD9]  }
0x89: {  	s3 =	sld [smem:$0x3FFE];
	_ =	sdelay $0x1  }
0x8a: {  	s1 =	srdreg.scid  }
0x8b: {  	s0 =	sand.u32 $0x1, s1  }
0x8c: {  	s18 =	sshll.u32 s0, $0xA;
	s2 =	sadd.s32 s3, s2  }
0x8d: {  	s2 =	sadd.s32 s2, s18  }
0x8e: {  	[smem:$0x3FC6] =	sst s2  }
0x8f: {  	_ = 	snop  }
0x90: {  	s2 =	sld [smem:$0x3FC9]  }
0x91: {  	s19 =	sld [smem:$0x3FC8]  }
0x92: {  	s4 =	sld [smem:$0x3FD0];
	(tm) =	ssettm $0x1  }
0x93: {  	s5 =	sld [smem:$0x3FFB];
	_ =	sdelay $0x3  }
0x94: {  	_ =	strace s5  }
0x95: {  	s5 =	sld [smem:$0x3FFC];
	_ =	sdelay $0x3  }
0x96: {  	_ =	strace s5  }
0x97: {  	s5 =	sld [smem:$0x3FFD];
	_ =	sdelay $0x3  }
0x98: {  	_ =	strace s5  }
0x99: {  	_ =	strace $0x8FFFFFFF  }
0x9a: {  	s20 =	sld [smem:$0x3FDB];
	_ =	sdelay $0x1  }
0x9b: {  	s6 =	simm.s32 $_scs_section_size  }
0x9c: {  	s7 =	simm.s32 $_size__tile_overlayer_lowered;
	s8 =	simm.s32 $_tile_overlayer_lowered  }
0x9d: {  	s23 =	simm.s32 $0x1BFF;
	s22 =	sshll.u32 s8, $0x1;
	s5 =	sadd.s32 s6, s20  }
0x9e: {  	s9 =	simm.s32 $0x0;
	s21 =	sshll.u32 s7, $0x1;
	s7 =	sadd.s32 s22, s5  }
0x9f: {  	[timem:s9], [sflag:s23] =	dma.local [hbm:s7], s21  }
0xa0: {  	_ =	swait.ge [sflag:s23], s21  }
0xa1: {  	s6 =	ssub.s32 $0x0, s21;
	[sflag:s23] =	ssyncset.done $0x0  }
0xa2: {  	[sflag:s23] =	ssyncadd.s32 s6;
	_ =	sdelay $0x1  }
0xa3: {  	s24 =	simm.s32 $0x1B8B  }
0xa4: {  	_ =	swait.ge [sflag:s24], $0x1  }
0xa5: {  	[sflag:s24] =	ssyncset.done $0x0  }
0xa6: {  	s25 =	simm.s32 $0x1B8E;
	[sflag:s24] =	ssyncadd.s32 $0xFFFFFFFF  }
0xa7: {  	s26 =	simm.s32 $execute0_lowered;
	[smem:$0x3FD2] =	sst s25  }
0xa8: {  	s6 =	sshll.u32 s26, $0x1;
	_ =	strace $0x80000046;
	[dreg:$0x1] =	wrdreg $0xFFFFFFFF  }
0xa9: {  	s28 =	simm.s32 $_size_execute0_lowered;
	s5 =	sadd.s32 s5, s6;
	[dreg:$0x0] =	wrdreg $0x0  }
0xaa: {  	s6 =	sshll.u32 s28, $0x1;
	[dreg:$0x2] =	wrdreg s5  }
0xab: {  	[dreg:$0x3] =	wrdreg s6  }
0xac: {  	[dreg:$0x4] =	wrdreg $0xC0  }
0xad: {  	_ =	task [dreg:s9], $0x5FFFF  }
0xae: {  	[dreg:$0x1] =	wrdreg $0xFFFFFFFF  }
0xaf: {  	[dreg:$0x0] =	wrdreg $0x60  }
0xb0: {  	[dreg:$0x2] =	wrdreg s2  }
0xb1: {  	[dreg:$0x3] =	wrdreg s19  }
0xb2: {  	[dreg:$0x4] =	wrdreg s4  }
0xb3: {  	[dreg:$0x5] =	wrdreg $0x9  }
0xb4: {  	_ =	task.clear_ibuf [dreg:s9], $0x6FFFF;
	_ =	strace $0x90000046  }
0xb5: {  	s29 =	simm.s32 $0x9;
	_ =	strace $0x80000048  }
0xb6: {  	_ =	swait.ge [sflag:s29], $0x1  }
0xb7: {  	[sflag:s29] =	ssyncadd.s32 $0xFFFFFFFF  }
0xb8: {  	_ =	strace $0x90000048  }
0xb9: {  	_ =	sfence  }
0xba: {  	s30 =	sld [smem:$0x0];
	_ =	sdelay $0x2  }
0xbb: {  	s31 =	sshll.u32 s1, $0xD;
	s1 =	sshrl.u32 s1, $0x2  }
0xbc: {  	s3 =	sand.u32 $0x4000, s31;
	s1 =	sadd.s32 s1, s30  }
0xbd: {  	s0 =	sor.u32 s3, s0;
	s1 =	sshll.u32 s1, $0x11  }
0xbe: {  	s0 =	sor.u32 s1, s0  }
0xbf: {  	s0 =	sadd.s32 $0x8F2B, s0  }
0xc0: {  	[sflag:s0] =	ssyncadd.remote.s32 $0x1  }
0xc1: {  	_ =	sfence.sel $0xFFFF  }
0xc2: {  	[dreg:$0x0] =	wrdreg $0xFFFFFFFF;
	(pc) =	sbr.abs _section_cstart, $3  }
0xc3: {  	[dreg:$0x1] =	wrdreg $0xFFFFFFFF  }
0xc4: {  	_ =	task.clear_ibuf [dreg:s9], $0x2FFFF;
	_ =	strace $0x9FFFFFFF  }
0xc5: {  	(tm) =	ssettm $0x7FFFFFFF  }
tec
execute0_lowered:
.L_overlay_start_1:
0x0: {  	(tag) =	ssettag $0x1  }
0x1: {  	s1 =	rddreg [dreg:$0x0]  }
0x2: {  	s0 =	rddreg [dreg:$0x1]  }
0x3: {  	s2 =	rddreg [dreg:$0x2];
	s4 =	simm.s32 $0x0;
	s3 =	srdreg.scid  }
0x4: {  	s6 =	stileid.u32;
	s11 =	simm.s32 $0x1400;
	s12 =	simm.s32 $0x1C00  }
0x5: {  	s13 =	simm.s32 $0x2400;
	s14 =	simm.s32 $0x2C00;
	s15 =	simm.s32 $0x3400  }
0x6: {  	s16 =	simm.s32 $0x3C00;
	s17 =	simm.s32 $0x4400;
	s18 =	simm.s32 $0x4C00  }
0x7: {  	s19 =	simm.s32 $0x5400;
	s20 =	simm.s32 $0x5C00;
	s21 =	simm.s32 $0xB400  }
0x8: {  	s22 =	simm.s32 $0x1A400;
	s23 =	simm.s32 $0x0;
	[smem:$0x7FF] =	sst s4  }
0x9: {  	s3 =	sand.u32 $0x1, s3;
	s7 =	smul.u32 $0xA0, s6;
	s5 =	sshll.u32 s6, $0x1  }
0xa: {  	p0 =	seq.s32 s6, $0x0;
	s6 =	simm.s32 $0x28;
	_ =	strace $0x80000047  }
0xb: {  	s8 =	ssub.s32 $0x2, s3;
	s9 =	smul.u32 $0x50, s3;
	s5 =	sor.u32 s3, s5  }
0xc: {  	s6 =	simm.s32 @!p0 $0x27;
	s10 =	sshrl.u32 s8, $0x1;
	s3 =	smul.u32 $0xA00, s5  }
.Ltmp0:
0xd: {  	s7 =	sadd.s32 s9, s7;
	s8 =	ssub.s32 s8, s10;
	(pc) =	sbr.rel .LBB2_1-.Ltmp0, $4  }
0xe: {  	s10 =	simm.s32 $0x5;
	s9 =	simm.s32 $0x2;
	s3 =	sadd.s32 s1, s3  }
0xf: {  	v2 =	vlaneseq.u32;
	s7 =	sshrl.u32 s7, $0x3;
	s31 =	smax.u32 s8, $0x1;
	[dreg:$0x4] =	wrdreg s3  }
0x10: {  	vm0 =	vmmov $0xffff;
	v1 =	vshrl.u32 v2, $0x3;
	s8 =	simm.s32 $0x15400;
	[dreg:$0x5] =	wrdreg s31;
	s0 =	sadd.s32 s7, s0  }
0x11: {  	v0 =	vand.u32 $0x7, v2;
	v2 =	vor.u32 $0x8, v2;
	v1 =	vmul.u32 $0x8, v1;
	s3 =	simm.s32 $0x10400;
	s7 =	simm.s32 $0x1;
	[dreg:$0x6] =	wrdreg s0  }
.LBB2_19:
0x12: {  	s0 =	simm.s32 $0x3  }
0x13: {  	_ =	swait.ge [sflag:s0], $0x5000  }
0x14: {  	[sflag:s0] =	ssyncset.done $0x0  }
0x15: {  	s24 =	simm.s32 $0x4;
	[sflag:s0] =	ssyncadd.s32 $0xFFFFB000  }
0x16: {  	_ =	swait.ge [sflag:s24], $0x5000  }
0x17: {  	s23 =	sadd.s32 $0x1, s23;
	s31 =	rddreg [dreg:$0x5]  }
0x18: {  	p0 =	sne.s32 s23, s31  }
.Ltmp1:
0x19: {  	_ = 	snop;
	(pc) =	sbr.rel @!p0 .LBB2_20-.Ltmp1, $3  }
0x1a: {  	_ =	sdelay $0x1  }
0x1b: {  	[sflag:s24] =	ssyncset.done $0x0  }
0x1c: {  	[sflag:s24] =	ssyncadd.s32 $0xFFFFB000  }
.LBB2_1:
0x1d: {  	p0 =	sne.s32 s6, $0x1  }
.Ltmp2:
0x1e: {  	_ = 	snop;
	(pc) =	sbr.rel @!p0 .LBB2_3-.Ltmp2, $3  }
0x1f: {  	_ =	sdelay $0x1  }
0x20: {  	s26 =	rddreg [dreg:$0x6];
	s24 =	sadd.s32 $0xFFFFFFFF, s6;
	s25 =	simm.s32 $0x0  }
0x21: {  	[tilespmem:s4], [sflag:$0x5] =	stream.linear.gather [hbm4b:s26+s4], $0x50, $0x38;
	[tilespmem:$0x1F400] =	vst v63  }
.LBB2_2:
0x22: {  	p1 =	sne.s32 s24, $0x1  }
.Ltmp3:
0x23: {  	_ = 	snop;
	(pc) =	sbr.rel @p1 .LBB2_2-.Ltmp3, $4  }
0x24: {  	_ = 	snop  }
0x25: {  	s25 =	sadd.s32 $0x80, s25;
	s26 =	sadd.s32 $0x140, s26  }
0x26: {  	s24 =	sadd.s32 $0xFFFFFFFF, s24  }
0x27: {  	[tilespmem:s25], [sflag:$0x5] =	stream.linear.gather [hbm4b:s26+s4], $0x50, $0x38;
	[tilespmem:$0x1F400] =	vst v63  }
.LBB2_3:
.Ltmp4:
0x28: {  	(pc) =	sbr.rel @!p0 .LBB2_5-.Ltmp4, $3  }
0x29: {  	_ =	sdelay $0x1  }
0x2a: {  	_ =	swait.ge [sflag:s10], $0x50  }
0x2b: {  	s24 =	sadd.s32 $0xFFFFFFFF, s6;
	[sflag:s10] =	ssyncset.done $0x0  }
.LBB2_4:
0x2c: {  	p0 =	sne.s32 s24, $0x1;
	s24 =	sadd.s32 $0xFFFFFFFF, s24;
	[sflag:s10] =	ssyncadd.s32 $0xFFFFFFB0  }
.Ltmp5:
0x2d: {  	(pc) =	sbr.rel @p0 .LBB2_4-.Ltmp5, $3  }
0x2e: {  	_ =	sdelay $0x1  }
0x2f: {  	_ =	swait.ge [sflag:s10], $0x50  }
0x30: {  	[sflag:s10] =	ssyncset.done $0x0  }
.LBB2_5:
0x31: {  	[sflag:s10] =	ssyncadd.s32 $0xFFFFFFB0  }
0x32: {  	v3 =	vld [tilespmem:$0x0];
	_ =	sdelay $0x4  }
0x33: {  	v4 =	vshll.u32 v3, $0x1  }
0x34: {  	v3 =	vand.u32 $0x7, v3;
	v4 =	vand.u32 $0xFFFFFFF0, v4  }
0x35: {  	v3 =	vor.u32 v3, v4  }
0x36: {  	v4 =	vperm.xlane v3, v0;
	_ =	sdelay $0x1  }
0x37: {  	v3 =	vperm.xlane v3, v2;
	v4 =	vadd.s32 v1, v4;
	_ =	sdelay $0x1  }
0x38: {  	v3 =	vadd.s32 v1, v3;
	_ =	sdelay $0x1  }
0x39: {  	s24 =	simm.s32 $0x0  }
0x3a: {  	[tilespmem:s11], [sflag:$0x1] =	stream.indirect_vreg.gather [hbm4b:s1+s24], $0x80, v4, vm0, $0xb8;
	[tilespmem:$0x1F400] =	vst v63  }
0x3b: {  	_ = 	snop  }
0x3c: {  	[tilespmem:s12], [sflag:$0x1] =	stream.indirect_vreg.gather [hbm4b:s1+s24], $0x80, v3, vm0, $0xb8;
	[tilespmem:$0x1F400] =	vst v63  }
0x3d: {  	v3 =	vld [tilespmem:$0x10];
	_ =	sdelay $0x4  }
0x3e: {  	v60 =	vshll.u32 v3, $0x1  }
0x3f: {  	v3 =	vand.u32 $0x7, v3;
	v4 =	vand.u32 $0xFFFFFFF0, v60  }
0x40: {  	v3 =	vor.u32 v3, v4  }
0x41: {  	v4 =	vperm.xlane v3, v0;
	_ =	sdelay $0x1  }
0x42: {  	v3 =	vperm.xlane v3, v2;
	v4 =	vadd.s32 v1, v4;
	_ =	sdelay $0x1  }
0x43: {  	v3 =	vadd.s32 v1, v3;
	_ =	sdelay $0x2  }
0x44: {  	[tilespmem:s13], [sflag:$0x1] =	stream.indirect_vreg.gather [hbm4b:s1+s24], $0x80, v4, vm0, $0xb8;
	[tilespmem:$0x1F400] =	vst v63  }
0x45: {  	_ = 	snop  }
0x46: {  	[tilespmem:s14], [sflag:$0x1] =	stream.indirect_vreg.gather [hbm4b:s1+s24], $0x80, v3, vm0, $0xb8;
	[tilespmem:$0x1F400] =	vst v63  }
0x47: {  	v3 =	vld [tilespmem:$0x20];
	_ =	sdelay $0x4  }
0x48: {  	v61 =	vshll.u32 v3, $0x1  }
0x49: {  	v3 =	vand.u32 $0x7, v3;
	v4 =	vand.u32 $0xFFFFFFF0, v61  }
0x4a: {  	v3 =	vor.u32 v3, v4  }
0x4b: {  	v4 =	vperm.xlane v3, v0;
	_ =	sdelay $0x1  }
0x4c: {  	v3 =	vperm.xlane v3, v2;
	v4 =	vadd.s32 v1, v4;
	_ =	sdelay $0x1  }
0x4d: {  	v3 =	vadd.s32 v1, v3;
	_ =	sdelay $0x2  }
0x4e: {  	[tilespmem:s15], [sflag:$0x1] =	stream.indirect_vreg.gather [hbm4b:s1+s24], $0x80, v4, vm0, $0xb8;
	[tilespmem:$0x1F400] =	vst v63  }
0x4f: {  	_ = 	snop  }
0x50: {  	[tilespmem:s16], [sflag:$0x1] =	stream.indirect_vreg.gather [hbm4b:s1+s24], $0x80, v3, vm0, $0xb8;
	[tilespmem:$0x1F400] =	vst v63  }
0x51: {  	v3 =	vld [tilespmem:$0x30];
	_ =	sdelay $0x4  }
0x52: {  	v62 =	vshll.u32 v3, $0x1  }
0x53: {  	v3 =	vand.u32 $0x7, v3;
	v4 =	vand.u32 $0xFFFFFFF0, v62  }
0x54: {  	v3 =	vor.u32 v3, v4  }
0x55: {  	v4 =	vperm.xlane v3, v0;
	_ =	sdelay $0x1  }
0x56: {  	v3 =	vperm.xlane v3, v2;
	v4 =	vadd.s32 v1, v4;
	_ =	sdelay $0x1  }
0x57: {  	v3 =	vadd.s32 v1, v3;
	_ =	sdelay $0x2  }
0x58: {  	[tilespmem:s17], [sflag:$0x1] =	stream.indirect_vreg.gather [hbm4b:s1+s24], $0x80, v4, vm0, $0xb8;
	[tilespmem:$0x1F400] =	vst v63  }
0x59: {  	_ = 	snop  }
0x5a: {  	[tilespmem:s18], [sflag:$0x1] =	stream.indirect_vreg.gather [hbm4b:s1+s24], $0x80, v3, vm0, $0xb8;
	[tilespmem:$0x1F400] =	vst v63  }
0x5b: {  	v3 =	vld [tilespmem:$0x40];
	_ =	sdelay $0x4  }
0x5c: {  	v63 =	vshll.u32 v3, $0x1  }
0x5d: {  	v3 =	vand.u32 $0x7, v3;
	v4 =	vand.u32 $0xFFFFFFF0, v63  }
0x5e: {  	v3 =	vor.u32 v3, v4  }
0x5f: {  	v4 =	vperm.xlane v3, v0;
	_ =	sdelay $0x1  }
0x60: {  	v4 =	vadd.s32 v1, v4  }
0x61: {  	v3 =	vperm.xlane v3, v2;
	_ =	sdelay $0x1  }
0x62: {  	v3 =	vadd.s32 v1, v3;
	_ =	sdelay $0x1  }
0x63: {  	[tilespmem:s19], [sflag:$0x1] =	stream.indirect_vreg.gather [hbm4b:s1+s24], $0x80, v4, vm0, $0xb8;
	[tilespmem:$0x1F400] =	vst v63  }
.Ltmp6:
0x64: {  	_ = 	snop;
	(pc) =	sbr.rel .LBB2_6-.Ltmp6, $4  }
0x65: {  	_ = 	snop  }
0x66: {  	[tilespmem:s20], [sflag:$0x1] =	stream.indirect_vreg.gather [hbm4b:s1+s24], $0x80, v3, vm0, $0xb8;
	[tilespmem:$0x1F400] =	vst v63  }
0x67: {  	s0 =	rddreg [dreg:$0x4]  }
0x68: {  	[tilespmem:s21], [sflag:$0x1] =	stream.linear.gather [hbm4b:s0+s24], $0x5000, $0x38;
	[tilespmem:$0x1F400] =	vst v63  }
.LBB2_18:
0x69: {  	s24 =	sadd.s32 $0x1, s24  }
0x6a: {  	p0 =	sne.s32 s24, $0x14  }
.Ltmp7:
0x6b: {  	_ = 	snop;
	(pc) =	sbr.rel @!p0 .LBB2_19-.Ltmp7, $1  }
0x6c: {  	_ =	sdelay $0x3  }
.LBB2_6:
0x6d: {  	s26 =	sshll.u32 s24, $0x1  }
0x6e: {  	p1 =	sge.u32 s26, s6  }
.Ltmp8:
0x6f: {  	_ = 	snop;
	(pc) =	sbr.rel @p1 .LBB2_12-.Ltmp8, $3  }
0x70: {  	_ =	sdelay $0x1  }
0x71: {  	s25 =	sshllo.u32 s24, $0x1  }
0x72: {  	p0 =	sge.u32 s25, s6  }
.Ltmp9:
0x73: {  	(pc) =	sbr.rel @p0 .LBB2_9-.Ltmp9, $1  }
0x74: {  	_ =	sdelay $0x3  }
0x75: {  	s28 =	sshll.u32 s25, $0x7  }
0x76: {  	s28 =	sand.u32 $0x3FFFFF80, s28  }
0x77: {  	v3 =	vld [tilespmem:s28+$0x0];
	_ =	sdelay $0x4  }
0x78: {  	v4 =	vshll.u32 v3, $0x1  }
0x79: {  	v3 =	vand.u32 $0x7, v3;
	v4 =	vand.u32 $0xFFFFFFF0, v4  }
0x7a: {  	v3 =	vor.u32 v3, v4  }
0x7b: {  	v4 =	vperm.xlane v3, v0;
	_ =	sdelay $0x1  }
0x7c: {  	v3 =	vperm.xlane v3, v2;
	v4 =	vadd.s32 v1, v4;
	_ =	sdelay $0x1  }
0x7d: {  	v3 =	vadd.s32 v1, v3;
	_ =	sdelay $0x1  }
0x7e: {  	s0 =	simm.s32 $0x6400  }
0x7f: {  	[tilespmem:s0], [sflag:$0x2] =	stream.indirect_vreg.gather [hbm4b:s1+s4], $0x80, v4, vm0, $0xb8;
	[tilespmem:$0x1F400] =	vst v63  }
0x80: {  	s31 =	simm.s32 $0x6C00  }
0x81: {  	[tilespmem:s31], [sflag:$0x2] =	stream.indirect_vreg.gather [hbm4b:s1+s4], $0x80, v3, vm0, $0xb8;
	[tilespmem:$0x1F400] =	vst v63  }
0x82: {  	v3 =	vld [tilespmem:s28+$0x10];
	_ =	sdelay $0x4  }
0x83: {  	v60 =	vshll.u32 v3, $0x1  }
0x84: {  	v3 =	vand.u32 $0x7, v3;
	v4 =	vand.u32 $0xFFFFFFF0, v60  }
0x85: {  	v3 =	vor.u32 v3, v4  }
0x86: {  	v4 =	vperm.xlane v3, v0;
	_ =	sdelay $0x1  }
0x87: {  	v3 =	vperm.xlane v3, v2;
	v4 =	vadd.s32 v1, v4;
	_ =	sdelay $0x1  }
0x88: {  	v3 =	vadd.s32 v1, v3;
	_ =	sdelay $0x1  }
0x89: {  	s29 =	simm.s32 $0x7400  }
0x8a: {  	[tilespmem:s29], [sflag:$0x2] =	stream.indirect_vreg.gather [hbm4b:s1+s4], $0x80, v4, vm0, $0xb8;
	[tilespmem:$0x1F400] =	vst v63  }
0x8b: {  	s30 =	simm.s32 $0x7C00  }
0x8c: {  	[tilespmem:s30], [sflag:$0x2] =	stream.indirect_vreg.gather [hbm4b:s1+s4], $0x80, v3, vm0, $0xb8;
	[tilespmem:$0x1F400] =	vst v63  }
0x8d: {  	v3 =	vld [tilespmem:s28+$0x20];
	_ =	sdelay $0x4  }
0x8e: {  	v61 =	vshll.u32 v3, $0x1  }
0x8f: {  	v3 =	vand.u32 $0x7, v3;
	v4 =	vand.u32 $0xFFFFFFF0, v61  }
0x90: {  	v3 =	vor.u32 v3, v4  }
0x91: {  	v4 =	vperm.xlane v3, v0;
	_ =	sdelay $0x1  }
0x92: {  	v3 =	vperm.xlane v3, v2;
	v4 =	vadd.s32 v1, v4;
	_ =	sdelay $0x1  }
0x93: {  	v3 =	vadd.s32 v1, v3;
	_ =	sdelay $0x1  }
0x94: {  	s31 =	simm.s32 $0x8400  }
0x95: {  	[tilespmem:s31], [sflag:$0x2] =	stream.indirect_vreg.gather [hbm4b:s1+s4], $0x80, v4, vm0, $0xb8;
	[tilespmem:$0x1F400] =	vst v63  }
0x96: {  	s29 =	simm.s32 $0x8C00  }
0x97: {  	[tilespmem:s29], [sflag:$0x2] =	stream.indirect_vreg.gather [hbm4b:s1+s4], $0x80, v3, vm0, $0xb8;
	[tilespmem:$0x1F400] =	vst v63  }
0x98: {  	v3 =	vld [tilespmem:s28+$0x30];
	_ =	sdelay $0x4  }
0x99: {  	v62 =	vshll.u32 v3, $0x1  }
0x9a: {  	v3 =	vand.u32 $0x7, v3;
	v4 =	vand.u32 $0xFFFFFFF0, v62  }
0x9b: {  	v3 =	vor.u32 v3, v4  }
0x9c: {  	v4 =	vperm.xlane v3, v0;
	_ =	sdelay $0x1  }
0x9d: {  	v3 =	vperm.xlane v3, v2;
	v4 =	vadd.s32 v1, v4;
	_ =	sdelay $0x1  }
0x9e: {  	v3 =	vadd.s32 v1, v3;
	_ =	sdelay $0x1  }
0x9f: {  	s30 =	simm.s32 $0x9400  }
0xa0: {  	[tilespmem:s30], [sflag:$0x2] =	stream.indirect_vreg.gather [hbm4b:s1+s4], $0x80, v4, vm0, $0xb8;
	[tilespmem:$0x1F400] =	vst v63  }
0xa1: {  	s31 =	simm.s32 $0x9C00  }
0xa2: {  	[tilespmem:s31], [sflag:$0x2] =	stream.indirect_vreg.gather [hbm4b:s1+s4], $0x80, v3, vm0, $0xb8;
	[tilespmem:$0x1F400] =	vst v63  }
0xa3: {  	v3 =	vld [tilespmem:s28+$0x40];
	_ =	sdelay $0x4  }
0xa4: {  	v63 =	vshll.u32 v3, $0x1  }
0xa5: {  	v3 =	vand.u32 $0x7, v3;
	v4 =	vand.u32 $0xFFFFFFF0, v63  }
0xa6: {  	v3 =	vor.u32 v3, v4  }
0xa7: {  	v4 =	vperm.xlane v3, v0;
	_ =	sdelay $0x1  }
0xa8: {  	v3 =	vperm.xlane v3, v2;
	v4 =	vadd.s32 v1, v4;
	_ =	sdelay $0x1  }
0xa9: {  	v3 =	vadd.s32 v1, v3  }
0xaa: {  	s30 =	sshll.u32 s25, $0x5  }
0xab: {  	s29 =	simm.s32 $0xA400;
	s28 =	sor.u32 s5, s30  }
0xac: {  	[tilespmem:s29], [sflag:$0x2] =	stream.indirect_vreg.gather [hbm4b:s1+s4], $0x80, v4, vm0, $0xb8;
	[tilespmem:$0x1F400] =	vst v63  }
0xad: {  	s31 =	simm.s32 $0xAC00;
	s28 =	smul.u32 $0xA00, s28  }
0xae: {  	[tilespmem:s31], [sflag:$0x2] =	stream.indirect_vreg.gather [hbm4b:s1+s4], $0x80, v3, vm0, $0xb8;
	[tilespmem:$0x1F400] =	vst v63  }
0xaf: {  	s28 =	sadd.s32 s1, s28  }
0xb0: {  	[tilespmem:s3], [sflag:$0x2] =	stream.linear.gather [hbm4b:s28+s4], $0x5000, $0x38;
	[tilespmem:$0x1F400] =	vst v63  }
.LBB2_9:
0xb1: {  	_ =	swait.ge [sflag:s7], $0x5000  }
0xb2: {  	[sflag:s7] =	ssyncset.done $0x0  }
0xb3: {  	[sflag:s7] =	ssyncadd.s32 $0xFFFFB000  }
0xb4: {  	_ =	swait.ge [sflag:s7], $0x5000  }
0xb5: {  	p1 =	seq.s32 s24, $0x0;
	[sflag:s7] =	ssyncset.done $0x0  }
0xb6: {  	s28 =	simm.s32 @!p1 $0x3;
	[sflag:s7] =	ssyncadd.s32 $0xFFFFB000  }
0xb7: {  	s29 =	simm.s32 $0x0;
	_ =	swait.ge @!p1 [sflag:s28], $0x5000  }
0xb8: {  	s30 =	sand.u32 $0x7800, s29;
	s29 =	sand.u32 $0x380, s29;
	[sflag:s28] =	ssyncset.done @!p1 $0x0  }
0xb9: {  	[sflag:s28] =	ssyncadd.s32 @!p1 $0xFFFFB000;
	s28 =	sor.u32 s29, s30  }
0xba: {  	v3 =	vld [tilespmem:s28+$0xB870]  }
0xbb: {  	v4 =	vld [tilespmem:s28+$0x1870]  }
0xbc: {  	v5 =	vld [tilespmem:s28+$0xB400]  }
0xbd: {  	v6 =	vld [tilespmem:s28+$0x1400]  }
0xbe: {  	v7 =	vld [tilespmem:s28+$0xB410]  }
0xbf: {  	v8 =	vld [tilespmem:s28+$0x1410]  }
0xc0: {  	v9 =	vld [tilespmem:s28+$0xB420];
	v3 =	vmul.f32 $6.999999880e-01, v3;
	v4 =	vmul.f32 $3.000000120e-01, v4  }
0xc1: {  	v10 =	vld [tilespmem:s28+$0x1420]  }
0xc2: {  	v11 =	vld [tilespmem:s28+$0xB430];
	v5 =	vmul.f32 $6.999999880e-01, v5;
	v6 =	vmul.f32 $3.000000120e-01, v6;
	v3 =	vadd.f32 v4, v3  }
0xc3: {  	v4 =	vld [tilespmem:s28+$0x1430]  }
0xc4: {  	v12 =	vld [tilespmem:s28+$0xB440];
	v5 =	vadd.f32 v6, v5;
	v6 =	vmul.f32 $3.000000120e-01, v8;
	[tilespmem:s28+$0x15870] =	vst v3;
	v3 =	vmul.f32 $6.999999880e-01, v7  }
0xc5: {  	v7 =	vld [tilespmem:s28+$0x1440]  }
0xc6: {  	v8 =	vmul.f32 $3.000000120e-01, v10;
	[tilespmem:s28+$0x15400] =	vst v5;
	v5 =	vld [tilespmem:s28+$0xB450];
	v3 =	vadd.f32 v6, v3;
	v6 =	vmul.f32 $6.999999880e-01, v9  }
0xc7: {  	v9 =	vld [tilespmem:s28+$0x1450]  }
0xc8: {  	v10 =	vld [tilespmem:s28+$0x1460];
	v4 =	vmul.f32 $3.000000120e-01, v4;
	[tilespmem:s28+$0x15410] =	vst v3;
	v3 =	vadd.f32 v8, v6;
	v8 =	vmul.f32 $6.999999880e-01, v11  }
0xc9: {  	v6 =	vld [tilespmem:s28+$0xB460]  }
0xca: {  	v11 =	vld [tilespmem:s28+$0x1470];
	v7 =	vmul.f32 $3.000000120e-01, v7;
	[tilespmem:s28+$0x15420] =	vst v3;
	v3 =	vadd.f32 v4, v8;
	v8 =	vmul.f32 $6.999999880e-01, v12  }
0xcb: {  	v4 =	vld [tilespmem:s28+$0xB470]  }
0xcc: {  	v5 =	vmul.f32 $6.999999880e-01, v5;
	[tilespmem:s28+$0x15430] =	vst v3;
	v3 =	vadd.f32 v7, v8;
	v7 =	vld [tilespmem:s28+$0xB800];
	v8 =	vmul.f32 $3.000000120e-01, v9  }
0xcd: {  	v9 =	vld [tilespmem:s28+$0x1800]  }
0xce: {  	v6 =	vmul.f32 $6.999999880e-01, v6;
	[tilespmem:s28+$0x15440] =	vst v3;
	v3 =	vadd.f32 v8, v5;
	v5 =	vld [tilespmem:s28+$0xB810];
	v8 =	vmul.f32 $3.000000120e-01, v10  }
0xcf: {  	v10 =	vld [tilespmem:s28+$0x1810]  }
0xd0: {  	v4 =	vmul.f32 $6.999999880e-01, v4;
	[tilespmem:s28+$0x15450] =	vst v3;
	v3 =	vadd.f32 v8, v6;
	v6 =	vld [tilespmem:s28+$0xB820];
	v8 =	vmul.f32 $3.000000120e-01, v11  }
0xd1: {  	v11 =	vld [tilespmem:s28+$0x1820]  }
0xd2: {  	[tilespmem:s28+$0x15460] =	vst v3;
	v3 =	vadd.f32 v8, v4;
	v8 =	vld [tilespmem:s28+$0xB830];
	v4 =	vmul.f32 $6.999999880e-01, v7;
	v7 =	vmul.f32 $3.000000120e-01, v9  }
0xd3: {  	v9 =	vld [tilespmem:s28+$0x1830]  }
0xd4: {  	v5 =	vmul.f32 $6.999999880e-01, v5;
	v10 =	vmul.f32 $3.000000120e-01, v10;
	[tilespmem:s28+$0x15470] =	vst v3;
	v3 =	vadd.f32 v7, v4;
	v7 =	vld [tilespmem:s28+$0xB840]  }
0xd5: {  	v4 =	vld [tilespmem:s28+$0x1840]  }
0xd6: {  	s29 =	simm.s32 $0x100;
	s30 =	simm.s32 $0x80;
	v10 =	vadd.f32 v10, v5;
	v5 =	vld [tilespmem:s28+$0xB850];
	v63 =	vmul.f32 $6.999999880e-01, v6;
	v11 =	vmul.f32 $3.000000120e-01, v11  }
0xd7: {  	s29 =	sand.u32 $0x7800, s29;
	s31 =	sand.u32 $0x380, s30;
	[tilespmem:s28+$0x15800] =	vst v3;
	v3 =	vld [tilespmem:s28+$0x1850]  }
0xd8: {  	v6 =	vld [tilespmem:s28+$0xB860];
	[tilespmem:s28+$0x15810] =	vst v10;
	v10 =	vmul.f32 $3.000000120e-01, v9;
	v8 =	vmul.f32 $6.999999880e-01, v8;
	v11 =	vadd.f32 v11, v63  }
0xd9: {  	s29 =	sor.u32 s31, s29;
	s31 =	simm.s32 $0x200;
	v9 =	vmul.f32 $6.999999880e-01, v7;
	v7 =	vld [tilespmem:s28+$0x1860]  }
.LBB2_10:
0xda: {  	p1 =	sne.s32 s31, $0x4F00;
	v12 =	vld [tilespmem:s29+$0xB870];
	[tilespmem:s28+$0x15820] =	vst v11;
	v8 =	vadd.f32 v10, v8;
	v4 =	vmul.f32 $3.000000120e-01, v4  }
0xdb: {  	v10 =	vld [tilespmem:s29+$0x1870];
	v5 =	vmul.f32 $6.999999880e-01, v5  }
0xdc: {  	v11 =	vld [tilespmem:s29+$0xB400];
	[tilespmem:s28+$0x15830] =	vst v8;
	v4 =	vadd.f32 v4, v9;
	v3 =	vmul.f32 $3.000000120e-01, v3  }
0xdd: {  	v8 =	vld [tilespmem:s29+$0x1400];
	v6 =	vmul.f32 $6.999999880e-01, v6  }
0xde: {  	v9 =	vld [tilespmem:s29+$0xB410];
	[tilespmem:s28+$0x15840] =	vst v4;
	v3 =	vadd.f32 v3, v5;
	v4 =	vmul.f32 $3.000000120e-01, v7  }
0xdf: {  	v5 =	vld [tilespmem:s29+$0x1410]  }
0xe0: {  	v12 =	vmul.f32 $6.999999880e-01, v12;
	v7 =	vld [tilespmem:s29+$0xB420];
	v10 =	vmul.f32 $3.000000120e-01, v10;
	[tilespmem:s28+$0x15850] =	vst v3;
	v3 =	vadd.f32 v4, v6  }
0xe1: {  	v4 =	vmul.f32 $6.999999880e-01, v11;
	v6 =	vld [tilespmem:s29+$0x1420]  }
0xe2: {  	v8 =	vmul.f32 $3.000000120e-01, v8;
	v11 =	vld [tilespmem:s29+$0xB430];
	v10 =	vadd.f32 v10, v12;
	[tilespmem:s28+$0x15860] =	vst v3;
	s28 =	smov.u32 s29  }
0xe3: {  	v3 =	vmul.f32 $6.999999880e-01, v9;
	v9 =	vld [tilespmem:s28+$0x1430]  }
0xe4: {  	v4 =	vadd.f32 v8, v4;
	v5 =	vmul.f32 $3.000000120e-01, v5;
	v8 =	vld [tilespmem:s28+$0xB440];
	[tilespmem:s28+$0x15870] =	vst v10  }
0xe5: {  	v7 =	vmul.f32 $6.999999880e-01, v7;
	v10 =	vld [tilespmem:s28+$0x1440]  }
0xe6: {  	[tilespmem:s28+$0x15400] =	vst v4;
	v3 =	vadd.f32 v5, v3;
	v4 =	vmul.f32 $3.000000120e-01, v6;
	v5 =	vld [tilespmem:s28+$0xB450]  }
0xe7: {  	v6 =	vmul.f32 $6.999999880e-01, v11;
	v11 =	vld [tilespmem:s28+$0x1450]  }
0xe8: {  	[tilespmem:s28+$0x15410] =	vst v3;
	v3 =	vadd.f32 v4, v7;
	v4 =	vmul.f32 $3.000000120e-01, v9;
	v7 =	vld [tilespmem:s28+$0xB460]  }
0xe9: {  	v8 =	vmul.f32 $6.999999880e-01, v8;
	v9 =	vld [tilespmem:s28+$0x1460]  }
0xea: {  	[tilespmem:s28+$0x15420] =	vst v3;
	v3 =	vadd.f32 v4, v6;
	v4 =	vmul.f32 $3.000000120e-01, v10;
	v6 =	vld [tilespmem:s28+$0xB470]  }
0xeb: {  	v5 =	vmul.f32 $6.999999880e-01, v5;
	v10 =	vld [tilespmem:s28+$0x1470]  }
0xec: {  	[tilespmem:s28+$0x15430] =	vst v3;
	v3 =	vadd.f32 v4, v8;
	v4 =	vmul.f32 $3.000000120e-01, v11;
	v8 =	vld [tilespmem:s28+$0xB800]  }
0xed: {  	v7 =	vmul.f32 $6.999999880e-01, v7;
	v11 =	vld [tilespmem:s28+$0x1800]  }
0xee: {  	[tilespmem:s28+$0x15440] =	vst v3;
	v3 =	vadd.f32 v4, v5;
	v4 =	vmul.f32 $3.000000120e-01, v9;
	v5 =	vld [tilespmem:s28+$0xB810]  }
0xef: {  	v6 =	vmul.f32 $6.999999880e-01, v6;
	v9 =	vld [tilespmem:s28+$0x1810]  }
0xf0: {  	[tilespmem:s28+$0x15450] =	vst v3;
	v3 =	vadd.f32 v4, v7;
	v4 =	vmul.f32 $3.000000120e-01, v10;
	v7 =	vld [tilespmem:s28+$0xB820]  }
0xf1: {  	v8 =	vmul.f32 $6.999999880e-01, v8;
	v10 =	vld [tilespmem:s28+$0x1820]  }
0xf2: {  	[tilespmem:s28+$0x15460] =	vst v3;
	v3 =	vadd.f32 v4, v6;
	v4 =	vmul.f32 $3.000000120e-01, v11;
	v6 =	vld [tilespmem:s28+$0xB830]  }
0xf3: {  	v5 =	vmul.f32 $6.999999880e-01, v5;
	v12 =	vld [tilespmem:s28+$0x1830]  }
0xf4: {  	[tilespmem:s28+$0x15470] =	vst v3;
	v3 =	vadd.f32 v4, v8;
	v8 =	vmul.f32 $3.000000120e-01, v9;
	v9 =	vld [tilespmem:s28+$0xB840]  }
.Ltmp10:
0xf5: {  	v7 =	vmul.f32 $6.999999880e-01, v7;
	v4 =	vld [tilespmem:s28+$0x1840];
	(pc) =	sbr.rel @p1 .LBB2_10-.Ltmp10, $4  }
0xf6: {  	[tilespmem:s28+$0x15800] =	vst v3;
	v11 =	vadd.f32 v8, v5;
	v10 =	vmul.f32 $3.000000120e-01, v10;
	v5 =	vld [tilespmem:s28+$0xB850]  }
0xf7: {  	s30 =	sadd.s32 $0x80, s30;
	v8 =	vmul.f32 $6.999999880e-01, v6;
	v3 =	vld [tilespmem:s28+$0x1850]  }
0xf8: {  	s0 =	sand.u32 $0x380, s30;
	s29 =	sand.u32 $0x7800, s31;
	[tilespmem:s28+$0x15810] =	vst v11;
	v11 =	vadd.f32 v10, v7;
	v10 =	vmul.f32 $3.000000120e-01, v12;
	v6 =	vld [tilespmem:s28+$0xB860]  }
0xf9: {  	s31 =	sadd.s32 $0x100, s31;
	s29 =	sor.u32 s0, s29;
	v9 =	vmul.f32 $6.999999880e-01, v9;
	v7 =	vld [tilespmem:s28+$0x1860]  }
0xfa: {  	v12 =	vld [tilespmem:s29+$0xB870];
	[tilespmem:s28+$0x15820] =	vst v11;
	v8 =	vadd.f32 v10, v8;
	v4 =	vmul.f32 $3.000000120e-01, v4  }
0xfb: {  	v22 =	vld [tilespmem:s29+$0x1870]  }
0xfc: {  	v11 =	vld [tilespmem:s29+$0xB400];
	v5 =	vmul.f32 $6.999999880e-01, v5;
	[tilespmem:s28+$0x15830] =	vst v8;
	v4 =	vadd.f32 v4, v9;
	v3 =	vmul.f32 $3.000000120e-01, v3  }
0xfd: {  	v8 =	vld [tilespmem:s29+$0x1400]  }
0xfe: {  	v23 =	vld [tilespmem:s29+$0xB410];
	v24 =	vmul.f32 $6.999999880e-01, v6;
	[tilespmem:s28+$0x15840] =	vst v4;
	v3 =	vadd.f32 v3, v5;
	v25 =	vmul.f32 $3.000000120e-01, v7  }
0xff: {  	v4 =	vld [tilespmem:s29+$0x1410]  }
0x100: {  	v26 =	vld [tilespmem:s29+$0xB420];
	[tilespmem:s28+$0x15850] =	vst v3;
	v3 =	vadd.f32 v25, v24  }
0x101: {  	v27 =	vld [tilespmem:s29+$0x1420]  }
0x102: {  	v29 =	vld [tilespmem:s29+$0xB430];
	[tilespmem:s28+$0x15860] =	vst v3  }
0x103: {  	v3 =	vmul.f32 $6.999999880e-01, v11;
	v8 =	vmul.f32 $3.000000120e-01, v8;
	v30 =	vld [tilespmem:s29+$0x1430]  }
0x104: {  	v31 =	vld [tilespmem:s29+$0xB440]  }
0x105: {  	v32 =	vmul.f32 $6.999999880e-01, v23;
	v33 =	vld [tilespmem:s29+$0x1440];
	v3 =	vadd.f32 v8, v3;
	v4 =	vmul.f32 $3.000000120e-01, v4  }
0x106: {  	v34 =	vld [tilespmem:s29+$0xB450]  }
0x107: {  	v36 =	vld [tilespmem:s29+$0x1450];
	v35 =	vmul.f32 $6.999999880e-01, v26;
	[tilespmem:s29+$0x15400] =	vst v3;
	v3 =	vadd.f32 v4, v32;
	v5 =	vmul.f32 $3.000000120e-01, v27  }
0x108: {  	v37 =	vld [tilespmem:s29+$0xB460]  }
0x109: {  	v40 =	vld [tilespmem:s29+$0x1460];
	v38 =	vmul.f32 $6.999999880e-01, v29;
	[tilespmem:s29+$0x15410] =	vst v3;
	v3 =	vadd.f32 v5, v35;
	v39 =	vmul.f32 $3.000000120e-01, v30  }
0x10a: {  	v41 =	vld [tilespmem:s29+$0xB470]  }
0x10b: {  	v43 =	vld [tilespmem:s29+$0x1470];
	v42 =	vmul.f32 $6.999999880e-01, v31;
	v8 =	vmul.f32 $3.000000120e-01, v33;
	[tilespmem:s29+$0x15420] =	vst v3;
	v3 =	vadd.f32 v39, v38  }
0x10c: {  	v28 =	vmul.f32 $6.999999880e-01, v12;
	v10 =	vmul.f32 $3.000000120e-01, v22;
	v44 =	vld [tilespmem:s29+$0xB800]  }
0x10d: {  	v45 =	vld [tilespmem:s29+$0x1800];
	v4 =	vmul.f32 $6.999999880e-01, v34;
	v7 =	vmul.f32 $3.000000120e-01, v36;
	[tilespmem:s29+$0x15430] =	vst v3;
	v3 =	vadd.f32 v8, v42  }
0x10e: {  	v6 =	vadd.f32 v10, v28;
	v46 =	vld [tilespmem:s29+$0xB810]  }
0x10f: {  	v48 =	vld [tilespmem:s29+$0x1810];
	v5 =	vmul.f32 $6.999999880e-01, v37;
	v47 =	vmul.f32 $3.000000120e-01, v40;
	[tilespmem:s29+$0x15440] =	vst v3;
	v3 =	vadd.f32 v7, v4  }
0x110: {  	v49 =	vld [tilespmem:s29+$0xB820];
	[tilespmem:s29+$0x15870] =	vst v6  }
0x111: {  	v51 =	vld [tilespmem:s29+$0x1820];
	v6 =	vmul.f32 $6.999999880e-01, v41;
	v50 =	vmul.f32 $3.000000120e-01, v43;
	[tilespmem:s29+$0x15450] =	vst v3;
	v3 =	vadd.f32 v47, v5  }
0x112: {  	v52 =	vld [tilespmem:s29+$0xB830]  }
0x113: {  	v55 =	vld [tilespmem:s29+$0x1830];
	v53 =	vmul.f32 $6.999999880e-01, v44;
	v54 =	vmul.f32 $3.000000120e-01, v45;
	[tilespmem:s29+$0x15460] =	vst v3;
	v3 =	vadd.f32 v50, v6  }
0x114: {  	v56 =	vld [tilespmem:s29+$0xB840]  }
0x115: {  	v58 =	vld [tilespmem:s29+$0x1840];
	v57 =	vmul.f32 $3.000000120e-01, v48;
	v4 =	vmul.f32 $6.999999880e-01, v46;
	[tilespmem:s29+$0x15470] =	vst v3;
	v3 =	vadd.f32 v54, v53  }
0x116: {  	v59 =	vld [tilespmem:s29+$0xB850]  }
0x117: {  	v60 =	vld [tilespmem:s29+$0x1850];
	[tilespmem:s29+$0x15800] =	vst v3;
	v3 =	vadd.f32 v57, v4  }
0x118: {  	v61 =	vld [tilespmem:s29+$0x1860]  }
0x119: {  	[tilespmem:s29+$0x15810] =	vst v3;
	v3 =	vld [tilespmem:s29+$0xB860]  }
0x11a: {  	v10 =	vmul.f32 $3.000000120e-01, v58;
	v7 =	vmul.f32 $6.999999880e-01, v56  }
0x11b: {  	v11 =	vmul.f32 $3.000000120e-01, v51;
	v5 =	vmul.f32 $6.999999880e-01, v49  }
0x11c: {  	v9 =	vmul.f32 $3.000000120e-01, v55;
	v62 =	vadd.f32 v10, v7;
	v6 =	vmul.f32 $6.999999880e-01, v52  }
0x11d: {  	v8 =	vmul.f32 $3.000000120e-01, v60;
	v5 =	vadd.f32 v11, v5;
	v4 =	vmul.f32 $6.999999880e-01, v59  }
0x11e: {  	s0 =	sshll.u32 s24, $0x6;
	v63 =	vmul.f32 $3.000000120e-01, v61;
	[tilespmem:s29+$0x15840] =	vst v62;
	v6 =	vadd.f32 v9, v6;
	v3 =	vmul.f32 $6.999999880e-01, v3  }
0x11f: {  	s0 =	sor.u32 s5, s0;
	[tilespmem:s29+$0x15820] =	vst v5;
	v4 =	vadd.f32 v8, v4  }
0x120: {  	s0 =	smul.u32 $0xA00, s0;
	[tilespmem:s29+$0x15830] =	vst v6;
	v3 =	vadd.f32 v63, v3  }
0x121: {  	[tilespmem:s29+$0x15850] =	vst v4  }
0x122: {  	s0 =	sadd.s32 s2, s0;
	[tilespmem:s29+$0x15860] =	vst v3  }
0x123: {  	[hbm4b:s0+s4] =	stream.linear.scatter [tilespmem:s8], [sflag:$0x3], $0x5000, $0x38;
	[tilespmem:$0x1F400] =	vst v63  }
.LBB2_12:
.Ltmp11:
0x124: {  	(pc) =	sbr.rel @p0 .LBB2_18-.Ltmp11, $1  }
0x125: {  	_ =	sdelay $0x3  }
0x126: {  	s26 =	sadd.s32 $0x2, s26  }
0x127: {  	p0 =	sge.u32 s26, s6  }
.Ltmp12:
0x128: {  	_ = 	snop;
	(pc) =	sbr.rel @p0 .LBB2_15-.Ltmp12, $1  }
0x129: {  	_ =	sdelay $0x3  }
0x12a: {  	s0 =	sshll.u32 s26, $0x7  }
0x12b: {  	s0 =	sand.u32 $0x3FFFFF80, s0  }
0x12c: {  	v3 =	vld [tilespmem:s0+$0x0];
	_ =	sdelay $0x4  }
0x12d: {  	v4 =	vshll.u32 v3, $0x1  }
0x12e: {  	v3 =	vand.u32 $0x7, v3;
	v4 =	vand.u32 $0xFFFFFFF0, v4  }
0x12f: {  	v3 =	vor.u32 v3, v4  }
0x130: {  	v4 =	vperm.xlane v3, v0;
	_ =	sdelay $0x1  }
0x131: {  	v3 =	vperm.xlane v3, v2;
	v4 =	vadd.s32 v1, v4;
	_ =	sdelay $0x1  }
0x132: {  	v3 =	vadd.s32 v1, v3;
	_ =	sdelay $0x2  }
0x133: {  	[tilespmem:s11], [sflag:$0x1] =	stream.indirect_vreg.gather [hbm4b:s1+s4], $0x80, v4, vm0, $0xb8;
	[tilespmem:$0x1F400] =	vst v63  }
0x134: {  	_ = 	snop  }
0x135: {  	[tilespmem:s12], [sflag:$0x1] =	stream.indirect_vreg.gather [hbm4b:s1+s4], $0x80, v3, vm0, $0xb8;
	[tilespmem:$0x1F400] =	vst v63  }
0x136: {  	v3 =	vld [tilespmem:s0+$0x10];
	_ =	sdelay $0x4  }
0x137: {  	v60 =	vshll.u32 v3, $0x1  }
0x138: {  	v3 =	vand.u32 $0x7, v3;
	v4 =	vand.u32 $0xFFFFFFF0, v60  }
0x139: {  	v3 =	vor.u32 v3, v4  }
0x13a: {  	v4 =	vperm.xlane v3, v0;
	_ =	sdelay $0x1  }
0x13b: {  	v3 =	vperm.xlane v3, v2;
	v4 =	vadd.s32 v1, v4;
	_ =	sdelay $0x1  }
0x13c: {  	v3 =	vadd.s32 v1, v3;
	_ =	sdelay $0x2  }
0x13d: {  	[tilespmem:s13], [sflag:$0x1] =	stream.indirect_vreg.gather [hbm4b:s1+s4], $0x80, v4, vm0, $0xb8;
	[tilespmem:$0x1F400] =	vst v63  }
0x13e: {  	_ = 	snop  }
0x13f: {  	[tilespmem:s14], [sflag:$0x1] =	stream.indirect_vreg.gather [hbm4b:s1+s4], $0x80, v3, vm0, $0xb8;
	[tilespmem:$0x1F400] =	vst v63  }
0x140: {  	v3 =	vld [tilespmem:s0+$0x20];
	_ =	sdelay $0x4  }
0x141: {  	v61 =	vshll.u32 v3, $0x1  }
0x142: {  	v3 =	vand.u32 $0x7, v3;
	v4 =	vand.u32 $0xFFFFFFF0, v61  }
0x143: {  	v3 =	vor.u32 v3, v4  }
0x144: {  	v4 =	vperm.xlane v3, v0;
	_ =	sdelay $0x1  }
0x145: {  	v3 =	vperm.xlane v3, v2;
	v4 =	vadd.s32 v1, v4;
	_ =	sdelay $0x1  }
0x146: {  	v3 =	vadd.s32 v1, v3;
	_ =	sdelay $0x2  }
0x147: {  	[tilespmem:s15], [sflag:$0x1] =	stream.indirect_vreg.gather [hbm4b:s1+s4], $0x80, v4, vm0, $0xb8;
	[tilespmem:$0x1F400] =	vst v63  }
0x148: {  	_ = 	snop  }
0x149: {  	[tilespmem:s16], [sflag:$0x1] =	stream.indirect_vreg.gather [hbm4b:s1+s4], $0x80, v3, vm0, $0xb8;
	[tilespmem:$0x1F400] =	vst v63  }
0x14a: {  	v3 =	vld [tilespmem:s0+$0x30];
	_ =	sdelay $0x4  }
0x14b: {  	v62 =	vshll.u32 v3, $0x1  }
0x14c: {  	v3 =	vand.u32 $0x7, v3;
	v4 =	vand.u32 $0xFFFFFFF0, v62  }
0x14d: {  	v3 =	vor.u32 v3, v4  }
0x14e: {  	v4 =	vperm.xlane v3, v0;
	_ =	sdelay $0x1  }
0x14f: {  	v3 =	vperm.xlane v3, v2;
	v4 =	vadd.s32 v1, v4;
	_ =	sdelay $0x1  }
0x150: {  	v3 =	vadd.s32 v1, v3;
	_ =	sdelay $0x2  }
0x151: {  	[tilespmem:s17], [sflag:$0x1] =	stream.indirect_vreg.gather [hbm4b:s1+s4], $0x80, v4, vm0, $0xb8;
	[tilespmem:$0x1F400] =	vst v63  }
0x152: {  	_ = 	snop  }
0x153: {  	[tilespmem:s18], [sflag:$0x1] =	stream.indirect_vreg.gather [hbm4b:s1+s4], $0x80, v3, vm0, $0xb8;
	[tilespmem:$0x1F400] =	vst v63  }
0x154: {  	v3 =	vld [tilespmem:s0+$0x40];
	_ =	sdelay $0x4  }
0x155: {  	v63 =	vshll.u32 v3, $0x1  }
0x156: {  	v3 =	vand.u32 $0x7, v3;
	v4 =	vand.u32 $0xFFFFFFF0, v63  }
0x157: {  	v3 =	vor.u32 v3, v4  }
0x158: {  	v4 =	vperm.xlane v3, v0;
	_ =	sdelay $0x1  }
0x159: {  	v3 =	vperm.xlane v3, v2;
	v4 =	vadd.s32 v1, v4;
	_ =	sdelay $0x1  }
0x15a: {  	v3 =	vadd.s32 v1, v3  }
0x15b: {  	s31 =	sshll.u32 s26, $0x5  }
0x15c: {  	s0 =	sor.u32 s5, s31  }
0x15d: {  	[tilespmem:s19], [sflag:$0x1] =	stream.indirect_vreg.gather [hbm4b:s1+s4], $0x80, v4, vm0, $0xb8;
	[tilespmem:$0x1F400] =	vst v63  }
0x15e: {  	s0 =	smul.u32 $0xA00, s0  }
0x15f: {  	[tilespmem:s20], [sflag:$0x1] =	stream.indirect_vreg.gather [hbm4b:s1+s4], $0x80, v3, vm0, $0xb8;
	[tilespmem:$0x1F400] =	vst v63  }
0x160: {  	s0 =	sadd.s32 s1, s0  }
0x161: {  	[tilespmem:s21], [sflag:$0x1] =	stream.linear.gather [hbm4b:s0+s4], $0x5000, $0x38;
	[tilespmem:$0x1F400] =	vst v63  }
.LBB2_15:
0x162: {  	_ =	swait.ge [sflag:s9], $0x5000  }
0x163: {  	[sflag:s9] =	ssyncset.done $0x0  }
0x164: {  	[sflag:s9] =	ssyncadd.s32 $0xFFFFB000  }
0x165: {  	_ =	swait.ge [sflag:s9], $0x5000  }
0x166: {  	p0 =	seq.s32 s24, $0x0;
	[sflag:s9] =	ssyncset.done $0x0  }
0x167: {  	s0 =	simm.s32 @!p0 $0x4;
	[sflag:s9] =	ssyncadd.s32 $0xFFFFB000  }
0x168: {  	s26 =	simm.s32 $0x0;
	_ =	swait.ge @!p0 [sflag:s0], $0x5000  }
0x169: {  	s28 =	sand.u32 $0x7800, s26;
	s26 =	sand.u32 $0x380, s26;
	[sflag:s0] =	ssyncset.done @!p0 $0x0  }
0x16a: {  	s26 =	sor.u32 s26, s28;
	[sflag:s0] =	ssyncadd.s32 @!p0 $0xFFFFB000  }
0x16b: {  	s0 =	sadd.s32 $0x5000, s26;
	v3 =	vld [tilespmem:s26+$0x6400]  }
0x16c: {  	v4 =	vld [tilespmem:s0+$0xB400];
	_ =	sdelay $0x4  }
0x16d: {  	v4 =	vmul.f32 $6.999999880e-01, v4;
	v3 =	vmul.f32 $3.000000120e-01, v3;
	_ =	sdelay $0x1  }
0x16e: {  	v3 =	vadd.f32 v3, v4;
	_ =	sdelay $0x1  }
0x16f: {  	[tilespmem:s26+$0x1A400] =	vst v3;
	v3 =	vld [tilespmem:s26+$0x6410]  }
0x170: {  	v4 =	vld [tilespmem:s0+$0xB410];
	_ =	sdelay $0x4  }
0x171: {  	v3 =	vmul.f32 $3.000000120e-01, v3;
	v4 =	vmul.f32 $6.999999880e-01, v4;
	_ =	sdelay $0x1  }
0x172: {  	v3 =	vadd.f32 v3, v4;
	_ =	sdelay $0x1  }
0x173: {  	[tilespmem:s26+$0x1A410] =	vst v3;
	v3 =	vld [tilespmem:s26+$0x6420]  }
0x174: {  	v4 =	vld [tilespmem:s0+$0xB420];
	_ =	sdelay $0x4  }
0x175: {  	v3 =	vmul.f32 $3.000000120e-01, v3;
	v4 =	vmul.f32 $6.999999880e-01, v4;
	_ =	sdelay $0x1  }
0x176: {  	v3 =	vadd.f32 v3, v4;
	_ =	sdelay $0x1  }
0x177: {  	[tilespmem:s26+$0x1A420] =	vst v3;
	v3 =	vld [tilespmem:s26+$0x6430]  }
0x178: {  	v4 =	vld [tilespmem:s0+$0xB430];
	_ =	sdelay $0x4  }
0x179: {  	v3 =	vmul.f32 $3.000000120e-01, v3;
	v4 =	vmul.f32 $6.999999880e-01, v4;
	_ =	sdelay $0x1  }
0x17a: {  	v3 =	vadd.f32 v3, v4;
	_ =	sdelay $0x1  }
0x17b: {  	[tilespmem:s26+$0x1A430] =	vst v3;
	v3 =	vld [tilespmem:s26+$0x6440]  }
0x17c: {  	v4 =	vld [tilespmem:s0+$0xB440];
	_ =	sdelay $0x4  }
0x17d: {  	v3 =	vmul.f32 $3.000000120e-01, v3;
	v4 =	vmul.f32 $6.999999880e-01, v4;
	_ =	sdelay $0x1  }
0x17e: {  	v3 =	vadd.f32 v3, v4;
	_ =	sdelay $0x1  }
0x17f: {  	[tilespmem:s26+$0x1A440] =	vst v3;
	v3 =	vld [tilespmem:s26+$0x6450]  }
0x180: {  	v4 =	vld [tilespmem:s0+$0xB450];
	_ =	sdelay $0x4  }
0x181: {  	v3 =	vmul.f32 $3.000000120e-01, v3;
	v4 =	vmul.f32 $6.999999880e-01, v4;
	_ =	sdelay $0x1  }
0x182: {  	v3 =	vadd.f32 v3, v4;
	_ =	sdelay $0x1  }
0x183: {  	[tilespmem:s26+$0x1A450] =	vst v3;
	v3 =	vld [tilespmem:s26+$0x6460]  }
0x184: {  	v4 =	vld [tilespmem:s0+$0xB460];
	_ =	sdelay $0x4  }
0x185: {  	v3 =	vmul.f32 $3.000000120e-01, v3;
	v4 =	vmul.f32 $6.999999880e-01, v4;
	_ =	sdelay $0x1  }
0x186: {  	v3 =	vadd.f32 v3, v4;
	_ =	sdelay $0x1  }
0x187: {  	[tilespmem:s26+$0x1A460] =	vst v3;
	v3 =	vld [tilespmem:s26+$0x6470]  }
0x188: {  	v4 =	vld [tilespmem:s0+$0xB470];
	_ =	sdelay $0x4  }
0x189: {  	v3 =	vmul.f32 $3.000000120e-01, v3;
	v4 =	vmul.f32 $6.999999880e-01, v4;
	_ =	sdelay $0x1  }
0x18a: {  	v3 =	vadd.f32 v3, v4;
	_ =	sdelay $0x1  }
0x18b: {  	s0 =	sadd.s32 $0x5400, s26;
	[tilespmem:s26+$0x1A470] =	vst v3;
	v3 =	vld [tilespmem:s26+$0x6800]  }
0x18c: {  	v4 =	vld [tilespmem:s0+$0xB400];
	_ =	sdelay $0x4  }
0x18d: {  	v3 =	vmul.f32 $3.000000120e-01, v3;
	v4 =	vmul.f32 $6.999999880e-01, v4;
	_ =	sdelay $0x1  }
0x18e: {  	v3 =	vadd.f32 v3, v4;
	_ =	sdelay $0x1  }
0x18f: {  	[tilespmem:s26+$0x1A800] =	vst v3;
	v3 =	vld [tilespmem:s26+$0x6810]  }
0x190: {  	v4 =	vld [tilespmem:s0+$0xB410];
	_ =	sdelay $0x4  }
0x191: {  	v3 =	vmul.f32 $3.000000120e-01, v3;
	v4 =	vmul.f32 $6.999999880e-01, v4;
	_ =	sdelay $0x1  }
0x192: {  	v3 =	vadd.f32 v3, v4;
	_ =	sdelay $0x1  }
0x193: {  	[tilespmem:s26+$0x1A810] =	vst v3;
	v3 =	vld [tilespmem:s26+$0x6820]  }
0x194: {  	v4 =	vld [tilespmem:s0+$0xB420];
	_ =	sdelay $0x4  }
0x195: {  	v3 =	vmul.f32 $3.000000120e-01, v3;
	v4 =	vmul.f32 $6.999999880e-01, v4;
	_ =	sdelay $0x1  }
0x196: {  	v3 =	vadd.f32 v3, v4;
	_ =	sdelay $0x1  }
0x197: {  	[tilespmem:s26+$0x1A820] =	vst v3;
	v3 =	vld [tilespmem:s26+$0x6830]  }
0x198: {  	v4 =	vld [tilespmem:s0+$0xB430];
	_ =	sdelay $0x4  }
0x199: {  	v3 =	vmul.f32 $3.000000120e-01, v3;
	v4 =	vmul.f32 $6.999999880e-01, v4;
	_ =	sdelay $0x1  }
0x19a: {  	v3 =	vadd.f32 v3, v4;
	_ =	sdelay $0x1  }
0x19b: {  	[tilespmem:s26+$0x1A830] =	vst v3;
	v3 =	vld [tilespmem:s26+$0x6840]  }
0x19c: {  	v4 =	vld [tilespmem:s0+$0xB440];
	_ =	sdelay $0x4  }
0x19d: {  	v3 =	vmul.f32 $3.000000120e-01, v3;
	v4 =	vmul.f32 $6.999999880e-01, v4;
	_ =	sdelay $0x1  }
0x19e: {  	v3 =	vadd.f32 v3, v4;
	_ =	sdelay $0x1  }
0x19f: {  	[tilespmem:s26+$0x1A840] =	vst v3;
	v3 =	vld [tilespmem:s26+$0x6850]  }
0x1a0: {  	v4 =	vld [tilespmem:s0+$0xB450];
	_ =	sdelay $0x4  }
0x1a1: {  	v3 =	vmul.f32 $3.000000120e-01, v3;
	v4 =	vmul.f32 $6.999999880e-01, v4;
	_ =	sdelay $0x1  }
0x1a2: {  	v3 =	vadd.f32 v3, v4;
	_ =	sdelay $0x1  }
0x1a3: {  	[tilespmem:s26+$0x1A850] =	vst v3;
	v3 =	vld [tilespmem:s26+$0x6860]  }
0x1a4: {  	v4 =	vld [tilespmem:s0+$0xB460];
	_ =	sdelay $0x4  }
0x1a5: {  	v3 =	vmul.f32 $3.000000120e-01, v3;
	v4 =	vmul.f32 $6.999999880e-01, v4;
	_ =	sdelay $0x1  }
0x1a6: {  	v3 =	vadd.f32 v3, v4;
	_ =	sdelay $0x1  }
0x1a7: {  	[tilespmem:s26+$0x1A860] =	vst v3;
	v3 =	vld [tilespmem:s26+$0x6870]  }
0x1a8: {  	v4 =	vld [tilespmem:s0+$0xB470];
	_ =	sdelay $0x4  }
0x1a9: {  	v3 =	vmul.f32 $3.000000120e-01, v3;
	v4 =	vmul.f32 $6.999999880e-01, v4  }
0x1aa: {  	s28 =	simm.s32 $0x80;
	s0 =	simm.s32 $0x100  }
0x1ab: {  	s29 =	simm.s32 $0x200;
	s31 =	sand.u32 $0x380, s28;
	s30 =	sand.u32 $0x7800, s0;
	v3 =	vadd.f32 v3, v4  }
.LBB2_16:
0x1ac: {  	p0 =	sne.s32 s29, $0x4F00;
	s0 =	sor.u32 s31, s30  }
0x1ad: {  	s30 =	sadd.s32 $0x5000, s0;
	v4 =	vld [tilespmem:s0+$0x6400];
	[tilespmem:s26+$0x1A870] =	vst v3;
	s26 =	smov.u32 s0  }
0x1ae: {  	v3 =	vld [tilespmem:s30+$0xB400];
	_ =	sdelay $0x4  }
0x1af: {  	v4 =	vmul.f32 $3.000000120e-01, v4;
	v3 =	vmul.f32 $6.999999880e-01, v3;
	_ =	sdelay $0x1  }
0x1b0: {  	v3 =	vadd.f32 v4, v3;
	_ =	sdelay $0x1  }
0x1b1: {  	[tilespmem:s26+$0x1A400] =	vst v3;
	v3 =	vld [tilespmem:s26+$0x6410]  }
0x1b2: {  	v4 =	vld [tilespmem:s30+$0xB410];
	_ =	sdelay $0x4  }
0x1b3: {  	v3 =	vmul.f32 $3.000000120e-01, v3;
	v4 =	vmul.f32 $6.999999880e-01, v4;
	_ =	sdelay $0x1  }
0x1b4: {  	v3 =	vadd.f32 v3, v4;
	_ =	sdelay $0x1  }
0x1b5: {  	[tilespmem:s26+$0x1A410] =	vst v3;
	v3 =	vld [tilespmem:s26+$0x6420]  }
0x1b6: {  	v4 =	vld [tilespmem:s30+$0xB420];
	_ =	sdelay $0x4  }
0x1b7: {  	v3 =	vmul.f32 $3.000000120e-01, v3;
	v4 =	vmul.f32 $6.999999880e-01, v4;
	_ =	sdelay $0x1  }
0x1b8: {  	v3 =	vadd.f32 v3, v4;
	_ =	sdelay $0x1  }
0x1b9: {  	[tilespmem:s26+$0x1A420] =	vst v3;
	v3 =	vld [tilespmem:s26+$0x6430]  }
0x1ba: {  	v4 =	vld [tilespmem:s30+$0xB430];
	_ =	sdelay $0x4  }
0x1bb: {  	v3 =	vmul.f32 $3.000000120e-01, v3;
	v4 =	vmul.f32 $6.999999880e-01, v4;
	_ =	sdelay $0x1  }
0x1bc: {  	v3 =	vadd.f32 v3, v4;
	_ =	sdelay $0x1  }
0x1bd: {  	[tilespmem:s26+$0x1A430] =	vst v3;
	v3 =	vld [tilespmem:s26+$0x6440]  }
0x1be: {  	v4 =	vld [tilespmem:s30+$0xB440];
	_ =	sdelay $0x4  }
0x1bf: {  	v3 =	vmul.f32 $3.000000120e-01, v3;
	v4 =	vmul.f32 $6.999999880e-01, v4;
	_ =	sdelay $0x1  }
0x1c0: {  	v3 =	vadd.f32 v3, v4;
	_ =	sdelay $0x1  }
0x1c1: {  	[tilespmem:s26+$0x1A440] =	vst v3;
	v3 =	vld [tilespmem:s26+$0x6450]  }
0x1c2: {  	v4 =	vld [tilespmem:s30+$0xB450];
	_ =	sdelay $0x4  }
0x1c3: {  	v3 =	vmul.f32 $3.000000120e-01, v3;
	v4 =	vmul.f32 $6.999999880e-01, v4;
	_ =	sdelay $0x1  }
0x1c4: {  	v3 =	vadd.f32 v3, v4;
	_ =	sdelay $0x1  }
0x1c5: {  	[tilespmem:s26+$0x1A450] =	vst v3;
	v3 =	vld [tilespmem:s26+$0x6460]  }
0x1c6: {  	v4 =	vld [tilespmem:s30+$0xB460];
	_ =	sdelay $0x4  }
0x1c7: {  	v3 =	vmul.f32 $3.000000120e-01, v3;
	v4 =	vmul.f32 $6.999999880e-01, v4;
	_ =	sdelay $0x1  }
0x1c8: {  	v3 =	vadd.f32 v3, v4;
	_ =	sdelay $0x1  }
0x1c9: {  	[tilespmem:s26+$0x1A460] =	vst v3;
	v3 =	vld [tilespmem:s26+$0x6470]  }
0x1ca: {  	v4 =	vld [tilespmem:s30+$0xB470];
	_ =	sdelay $0x4  }
0x1cb: {  	v3 =	vmul.f32 $3.000000120e-01, v3;
	v4 =	vmul.f32 $6.999999880e-01, v4;
	_ =	sdelay $0x1  }
0x1cc: {  	v3 =	vadd.f32 v3, v4;
	_ =	sdelay $0x1  }
0x1cd: {  	s30 =	sadd.s32 $0x5400, s26;
	[tilespmem:s26+$0x1A470] =	vst v3;
	v3 =	vld [tilespmem:s26+$0x6800]  }
0x1ce: {  	v4 =	vld [tilespmem:s30+$0xB400];
	_ =	sdelay $0x4  }
0x1cf: {  	v3 =	vmul.f32 $3.000000120e-01, v3;
	v4 =	vmul.f32 $6.999999880e-01, v4;
	_ =	sdelay $0x1  }
0x1d0: {  	v3 =	vadd.f32 v3, v4;
	_ =	sdelay $0x1  }
0x1d1: {  	[tilespmem:s26+$0x1A800] =	vst v3;
	v3 =	vld [tilespmem:s26+$0x6810]  }
0x1d2: {  	v4 =	vld [tilespmem:s30+$0xB410];
	_ =	sdelay $0x4  }
0x1d3: {  	v3 =	vmul.f32 $3.000000120e-01, v3;
	v4 =	vmul.f32 $6.999999880e-01, v4;
	_ =	sdelay $0x1  }
0x1d4: {  	v3 =	vadd.f32 v3, v4;
	_ =	sdelay $0x1  }
0x1d5: {  	[tilespmem:s26+$0x1A810] =	vst v3;
	v3 =	vld [tilespmem:s26+$0x6820]  }
0x1d6: {  	v4 =	vld [tilespmem:s30+$0xB420];
	_ =	sdelay $0x4  }
0x1d7: {  	v3 =	vmul.f32 $3.000000120e-01, v3;
	v4 =	vmul.f32 $6.999999880e-01, v4;
	_ =	sdelay $0x1  }
0x1d8: {  	v3 =	vadd.f32 v3, v4;
	_ =	sdelay $0x1  }
0x1d9: {  	[tilespmem:s26+$0x1A820] =	vst v3;
	v3 =	vld [tilespmem:s26+$0x6830]  }
0x1da: {  	v4 =	vld [tilespmem:s30+$0xB430];
	_ =	sdelay $0x4  }
0x1db: {  	v3 =	vmul.f32 $3.000000120e-01, v3;
	v4 =	vmul.f32 $6.999999880e-01, v4;
	_ =	sdelay $0x1  }
0x1dc: {  	v3 =	vadd.f32 v3, v4;
	_ =	sdelay $0x1  }
0x1dd: {  	[tilespmem:s26+$0x1A830] =	vst v3;
	v3 =	vld [tilespmem:s26+$0x6840]  }
0x1de: {  	v4 =	vld [tilespmem:s30+$0xB440];
	_ =	sdelay $0x4  }
0x1df: {  	v3 =	vmul.f32 $3.000000120e-01, v3;
	v4 =	vmul.f32 $6.999999880e-01, v4;
	_ =	sdelay $0x1  }
0x1e0: {  	v3 =	vadd.f32 v3, v4;
	_ =	sdelay $0x1  }
0x1e1: {  	[tilespmem:s26+$0x1A840] =	vst v3;
	v3 =	vld [tilespmem:s26+$0x6850]  }
0x1e2: {  	v4 =	vld [tilespmem:s30+$0xB450];
	_ =	sdelay $0x4  }
0x1e3: {  	v3 =	vmul.f32 $3.000000120e-01, v3;
	v4 =	vmul.f32 $6.999999880e-01, v4;
	_ =	sdelay $0x1  }
0x1e4: {  	v3 =	vadd.f32 v3, v4;
	_ =	sdelay $0x1  }
0x1e5: {  	[tilespmem:s26+$0x1A850] =	vst v3;
	v3 =	vld [tilespmem:s26+$0x6860]  }
0x1e6: {  	v4 =	vld [tilespmem:s30+$0xB460];
	_ =	sdelay $0x4  }
0x1e7: {  	v3 =	vmul.f32 $3.000000120e-01, v3;
	v4 =	vmul.f32 $6.999999880e-01, v4;
	_ =	sdelay $0x1  }
0x1e8: {  	v3 =	vadd.f32 v3, v4;
	_ =	sdelay $0x1  }
0x1e9: {  	[tilespmem:s26+$0x1A860] =	vst v3;
	v3 =	vld [tilespmem:s26+$0x6870]  }
0x1ea: {  	v4 =	vld [tilespmem:s30+$0xB470];
	_ =	sdelay $0x2  }
.Ltmp13:
0x1eb: {  	(pc) =	sbr.rel @p0 .LBB2_16-.Ltmp13, $4  }
0x1ec: {  	_ = 	snop  }
0x1ed: {  	v3 =	vmul.f32 $3.000000120e-01, v3;
	v4 =	vmul.f32 $6.999999880e-01, v4  }
0x1ee: {  	s28 =	sadd.s32 $0x80, s28  }
0x1ef: {  	s31 =	sand.u32 $0x380, s28;
	s30 =	sand.u32 $0x7800, s29;
	s29 =	sadd.s32 $0x100, s29;
	v3 =	vadd.f32 v3, v4  }
0x1f0: {  	s28 =	sor.u32 s31, s30  }
0x1f1: {  	v4 =	vld [tilespmem:s28+$0x6400];
	s0 =	sadd.s32 $0x5000, s28;
	[tilespmem:s26+$0x1A870] =	vst v3  }
0x1f2: {  	v3 =	vld [tilespmem:s0+$0xB400];
	_ =	sdelay $0x4  }
0x1f3: {  	v4 =	vmul.f32 $3.000000120e-01, v4;
	v3 =	vmul.f32 $6.999999880e-01, v3;
	_ =	sdelay $0x1  }
0x1f4: {  	v3 =	vadd.f32 v4, v3;
	_ =	sdelay $0x1  }
0x1f5: {  	[tilespmem:s28+$0x1A400] =	vst v3;
	v3 =	vld [tilespmem:s28+$0x6410]  }
0x1f6: {  	v49 =	vld [tilespmem:s0+$0xB410];
	_ =	sdelay $0x4  }
0x1f7: {  	v3 =	vmul.f32 $3.000000120e-01, v3;
	v4 =	vmul.f32 $6.999999880e-01, v49;
	_ =	sdelay $0x1  }
0x1f8: {  	v3 =	vadd.f32 v3, v4;
	_ =	sdelay $0x1  }
0x1f9: {  	[tilespmem:s28+$0x1A410] =	vst v3;
	v3 =	vld [tilespmem:s28+$0x6420]  }
0x1fa: {  	v50 =	vld [tilespmem:s0+$0xB420];
	_ =	sdelay $0x4  }
0x1fb: {  	v3 =	vmul.f32 $3.000000120e-01, v3;
	v4 =	vmul.f32 $6.999999880e-01, v50;
	_ =	sdelay $0x1  }
0x1fc: {  	v3 =	vadd.f32 v3, v4;
	_ =	sdelay $0x1  }
0x1fd: {  	[tilespmem:s28+$0x1A420] =	vst v3;
	v3 =	vld [tilespmem:s28+$0x6430]  }
0x1fe: {  	v51 =	vld [tilespmem:s0+$0xB430];
	_ =	sdelay $0x4  }
0x1ff: {  	v3 =	vmul.f32 $3.000000120e-01, v3;
	v4 =	vmul.f32 $6.999999880e-01, v51;
	_ =	sdelay $0x1  }
0x200: {  	v3 =	vadd.f32 v3, v4;
	_ =	sdelay $0x1  }
0x201: {  	[tilespmem:s28+$0x1A430] =	vst v3;
	v3 =	vld [tilespmem:s28+$0x6440]  }
0x202: {  	v52 =	vld [tilespmem:s0+$0xB440];
	_ =	sdelay $0x4  }
0x203: {  	v3 =	vmul.f32 $3.000000120e-01, v3;
	v4 =	vmul.f32 $6.999999880e-01, v52;
	_ =	sdelay $0x1  }
0x204: {  	v3 =	vadd.f32 v3, v4;
	_ =	sdelay $0x1  }
0x205: {  	[tilespmem:s28+$0x1A440] =	vst v3;
	v3 =	vld [tilespmem:s28+$0x6450]  }
0x206: {  	v53 =	vld [tilespmem:s0+$0xB450];
	_ =	sdelay $0x4  }
0x207: {  	v3 =	vmul.f32 $3.000000120e-01, v3;
	v4 =	vmul.f32 $6.999999880e-01, v53;
	_ =	sdelay $0x1  }
0x208: {  	v3 =	vadd.f32 v3, v4;
	_ =	sdelay $0x1  }
0x209: {  	[tilespmem:s28+$0x1A450] =	vst v3;
	v3 =	vld [tilespmem:s28+$0x6460]  }
0x20a: {  	v54 =	vld [tilespmem:s0+$0xB460];
	_ =	sdelay $0x4  }
0x20b: {  	v3 =	vmul.f32 $3.000000120e-01, v3;
	v4 =	vmul.f32 $6.999999880e-01, v54;
	_ =	sdelay $0x1  }
0x20c: {  	v3 =	vadd.f32 v3, v4;
	_ =	sdelay $0x1  }
0x20d: {  	[tilespmem:s28+$0x1A460] =	vst v3;
	v3 =	vld [tilespmem:s28+$0x6470]  }
0x20e: {  	v55 =	vld [tilespmem:s0+$0xB470];
	_ =	sdelay $0x4  }
0x20f: {  	v3 =	vmul.f32 $3.000000120e-01, v3;
	v4 =	vmul.f32 $6.999999880e-01, v55;
	_ =	sdelay $0x1  }
0x210: {  	v3 =	vadd.f32 v3, v4;
	_ =	sdelay $0x1  }
0x211: {  	s30 =	sadd.s32 $0x5400, s28;
	[tilespmem:s28+$0x1A470] =	vst v3;
	v3 =	vld [tilespmem:s28+$0x6800]  }
0x212: {  	v56 =	vld [tilespmem:s30+$0xB400];
	_ =	sdelay $0x4  }
0x213: {  	v3 =	vmul.f32 $3.000000120e-01, v3;
	v4 =	vmul.f32 $6.999999880e-01, v56;
	_ =	sdelay $0x1  }
0x214: {  	v3 =	vadd.f32 v3, v4;
	_ =	sdelay $0x1  }
0x215: {  	[tilespmem:s28+$0x1A800] =	vst v3;
	v3 =	vld [tilespmem:s28+$0x6810]  }
0x216: {  	v57 =	vld [tilespmem:s30+$0xB410];
	_ =	sdelay $0x4  }
0x217: {  	v3 =	vmul.f32 $3.000000120e-01, v3;
	v4 =	vmul.f32 $6.999999880e-01, v57;
	_ =	sdelay $0x1  }
0x218: {  	v3 =	vadd.f32 v3, v4;
	_ =	sdelay $0x1  }
0x219: {  	[tilespmem:s28+$0x1A810] =	vst v3;
	v3 =	vld [tilespmem:s28+$0x6820]  }
0x21a: {  	v58 =	vld [tilespmem:s30+$0xB420];
	_ =	sdelay $0x4  }
0x21b: {  	v3 =	vmul.f32 $3.000000120e-01, v3;
	v4 =	vmul.f32 $6.999999880e-01, v58;
	_ =	sdelay $0x1  }
0x21c: {  	v3 =	vadd.f32 v3, v4;
	_ =	sdelay $0x1  }
0x21d: {  	[tilespmem:s28+$0x1A820] =	vst v3;
	v3 =	vld [tilespmem:s28+$0x6830]  }
0x21e: {  	v59 =	vld [tilespmem:s30+$0xB430];
	_ =	sdelay $0x4  }
0x21f: {  	v3 =	vmul.f32 $3.000000120e-01, v3;
	v4 =	vmul.f32 $6.999999880e-01, v59;
	_ =	sdelay $0x1  }
0x220: {  	v3 =	vadd.f32 v3, v4;
	_ =	sdelay $0x1  }
0x221: {  	[tilespmem:s28+$0x1A830] =	vst v3;
	v3 =	vld [tilespmem:s28+$0x6840]  }
0x222: {  	v60 =	vld [tilespmem:s30+$0xB440];
	_ =	sdelay $0x4  }
0x223: {  	v3 =	vmul.f32 $3.000000120e-01, v3;
	v4 =	vmul.f32 $6.999999880e-01, v60;
	_ =	sdelay $0x1  }
0x224: {  	v3 =	vadd.f32 v3, v4;
	_ =	sdelay $0x1  }
0x225: {  	[tilespmem:s28+$0x1A840] =	vst v3;
	v3 =	vld [tilespmem:s28+$0x6850]  }
0x226: {  	v61 =	vld [tilespmem:s30+$0xB450];
	_ =	sdelay $0x4  }
0x227: {  	v3 =	vmul.f32 $3.000000120e-01, v3;
	v4 =	vmul.f32 $6.999999880e-01, v61;
	_ =	sdelay $0x1  }
0x228: {  	v3 =	vadd.f32 v3, v4;
	_ =	sdelay $0x1  }
0x229: {  	[tilespmem:s28+$0x1A850] =	vst v3;
	v3 =	vld [tilespmem:s28+$0x6860]  }
0x22a: {  	v62 =	vld [tilespmem:s30+$0xB460];
	_ =	sdelay $0x4  }
0x22b: {  	v3 =	vmul.f32 $3.000000120e-01, v3;
	v4 =	vmul.f32 $6.999999880e-01, v62;
	_ =	sdelay $0x1  }
0x22c: {  	v3 =	vadd.f32 v3, v4;
	_ =	sdelay $0x1  }
0x22d: {  	[tilespmem:s28+$0x1A860] =	vst v3;
	v3 =	vld [tilespmem:s28+$0x6870]  }
0x22e: {  	v63 =	vld [tilespmem:s30+$0xB470];
	_ =	sdelay $0x4  }
0x22f: {  	s31 =	sshll.u32 s25, $0x5;
	v3 =	vmul.f32 $3.000000120e-01, v3;
	v4 =	vmul.f32 $6.999999880e-01, v63  }
.Ltmp14:
0x230: {  	s0 =	sor.u32 s5, s31;
	(pc) =	sbr.rel .LBB2_18-.Ltmp14, $3  }
0x231: {  	s0 =	smul.u32 $0xA00, s0;
	v3 =	vadd.f32 v3, v4;
	_ =	sdelay $0x1  }
0x232: {  	s0 =	sadd.s32 s2, s0;
	[tilespmem:s28+$0x1A870] =	vst v3  }
0x233: {  	[hbm4b:s0+s4] =	stream.linear.scatter [tilespmem:s22], [sflag:$0x4], $0x5000, $0x38;
	[tilespmem:$0x1F400] =	vst v63  }
.LBB2_20:
0x234: {  	_ =	sfence.sel $0x180000  }
0x235: {  	[bflag:$0x0] =	sbarrier.arrive $0xFFFF  }
0x236: {  	_ =	strace $0x90000047  }
0x237: {  	s0 =	stileid.u32;
	[bflag:$0x2] =	sbarrier.arrive $0xFFFF  }
0x238: {  	p0 =	sne.s32 s0, $0x0;
	s0 =	rddreg [dreg:$0x3]  }
0x239: {  	s0 =	sadd.s32 @!p0 $0x100000, s0  }
0x23a: {  	[sflag:s0] =	ssyncadd.tile.s32 @!p0 $0x1;
	_ =	shalt  }
.Lfunc_end2:
_tile_overlayer_lowered:
.L_overlay_start_2:
0x23b: {  	(tag) =	ssettag $0x2  }
0x23c: {  	s0 =	rddreg [dreg:$0x0];
	s2 =	stileid.u32  }
0x23d: {  	s1 =	rddreg [dreg:$0x1];
	p0 =	sne.s32 s2, $0x0  }
0x23e: {  	s3 =	rddreg [dreg:$0x2];
	[bflag:$0x3] =	sbarrier.arrive $0xFFFF;
	s2 =	simm.s32 @!p0 $0x1C06  }
0x23f: {  	[timem:s3], [sflag:s2] =	dma.local @!p0 [hbm:s0], s1  }
0x240: {  	s0 =	simm.s32 @!p0 $0x6  }
0x241: {  	_ =	swait.ge @!p0 [sflag:s0], s1  }
0x242: {  	s1 =	ssub.s32 @!p0 $0x0, s1;
	[sflag:s0] =	ssyncset.done @!p0 $0x0  }
0x243: {  	[sflag:s0] =	ssyncadd.s32 @!p0 s1  }
0x244: {  	[bflag:$0x3] =	sbarrier.arrive $0xFFFF  }
0x245: {  	_ =	shalt  }

</sc_bundles>
